<compile_context>
chip_gen: v7x
topology: tpu7x:2x2x1
jax: 0.10.2.dev20260603
libtpu: 0.0.44.dev20260713+nightly
codegen_flags: <defaults>
</compile_context>

<pallas_src>
import functools

import jax
import jax.numpy as jnp
from jax import lax
from jax.experimental import pallas as pl
from jax.experimental.pallas import tpu as pltpu
from jax.experimental.pallas import tpu_sc as plsc

_NQ = 32768
_NT = 128
_TOPK = 10
_POS = 5
_NG = 4096
_NSLAB = _NQ // _NG
_MCHUNK = 256

_N_PAIR = _POS * _NT
_QSLICE = _NQ // 16
_NCAND = _TOPK * _NSLAB


def _gsel_kernel(sim_ref, sel_ref, m_ref, m2_ref, mprev_ref, qprev_ref):
    t = pl.program_id(0)

    @pl.when(t == 0)
    def _():
        mprev_ref[...] = jnp.full((1, _NT), jnp.inf, jnp.float32)
        qprev_ref[...] = jnp.full((1, _NT), -1, jnp.int32)

        def mbody(i, _):
            base = i * _MCHUNK
            giota = jax.lax.broadcasted_iota(jnp.int32, (_MCHUNK, _NT), 0) + base
            cur = sim_ref[pl.ds(base, _MCHUNK), :]
            curi = giota
            for j in range(1, _NSLAB):
                blk = sim_ref[pl.ds(base + j * _NG, _MCHUNK), :]
                take = blk > cur
                curi = jnp.where(take, giota + j * _NG, curi)
                cur = jnp.where(take, blk, cur)
            m_ref[pl.ds(base, _MCHUNK), :] = cur
            m2_ref[pl.ds(base, _MCHUNK), :] = curi
            return 0

        lax.fori_loop(0, _NG // _MCHUNK, mbody, 0)

    mp = mprev_ref[...]
    qp = qprev_ref[...]

    def body(i, carry):
        m, q = carry
        blk = m_ref[pl.ds(i * _MCHUNK, _MCHUNK), :]
        bli = m2_ref[pl.ds(i * _MCHUNK, _MCHUNK), :]
        elig = (blk < mp) | ((blk == mp) & (bli > qp))
        mb = jnp.where(elig, blk, -jnp.inf)
        bm = jnp.max(mb, axis=0, keepdims=True)
        bq = jnp.min(jnp.where(mb == bm, bli, 2**30), axis=0, keepdims=True)
        take = (bm > m) | ((bm == m) & (bq < q))
        return jnp.where(take, bm, m), jnp.where(take, bq, q)

    m0 = jnp.full((1, _NT), -jnp.inf, jnp.float32)
    q0 = jnp.full((1, _NT), 2**30, jnp.int32)
    m, q = lax.fori_loop(0, _NG // _MCHUNK, body, (m0, q0))
    sel_ref[pl.ds(t, 1), :] = q
    mprev_ref[...] = m
    qprev_ref[...] = q


def _sc_mesh():
    return plsc.VectorSubcoreMesh(core_axis_name="c", subcore_axis_name="s")


def _sc_post_body(sim_hbm, selT_hbm, labels_hbm, qry_hbm, tgt_hbm,
                  idsx_hbm, rankx_hbm,
                  selT_v, idsT_v, lab_v, keys_v, stage_v, rankall_v,
                  qry_v, tgt_v, cand_v, sem):
    c = lax.axis_index("c")
    s = lax.axis_index("s")
    iota = lax.iota(jnp.int32, 16)

    @pl.when(c == 0)
    def _():
        pltpu.sync_copy(selT_hbm, selT_v)

        def col_body(cc, _):
            col = s * 8 + cc
            colv = jnp.full((16,), 1, jnp.int32) * col
            cand_rows = []
            for k in range(_NCAND // 16):
                j = iota + k * 16
                tt = j >> 3
                jj = j & (_NSLAB - 1)
                selg = plsc.load_gather(selT_v, [col * 16 + tt])
                row = (selg & (_NG - 1)) + (jj << 12)
                cand_rows.append(row)
                pltpu.async_copy(
                    sim_hbm.at[row], cand_v.at[pl.ds(k * 16, 16)], sem).wait()
            vs = []
            for k in range(_NCAND // 16):
                vs.append(plsc.load_gather(cand_v, [iota + k * 16, colv]))

            def sel_body(t2, carry):
                mp, qp, resq = carry
                mv = jnp.where((vs[0] < mp) | ((vs[0] == mp) & (cand_rows[0] > qp)),
                               vs[0], -jnp.inf)
                mi = cand_rows[0]
                for k in range(1, _NCAND // 16):
                    ev = jnp.where((vs[k] < mp) | ((vs[k] == mp) & (cand_rows[k] > qp)),
                                   vs[k], -jnp.inf)
                    take = (ev > mv) | ((ev == mv) & (cand_rows[k] < mi))
                    mi = jnp.where(take, cand_rows[k], mi)
                    mv = jnp.where(take, ev, mv)
                m = jnp.max(mv)
                q = jnp.min(jnp.where(mv == m, mi, 2**30))
                resq = jnp.where(iota == t2, q, resq)
                return m, q, resq

            _, _, resq = lax.fori_loop(
                0, _TOPK, sel_body,
                (jnp.float32(jnp.inf), jnp.int32(-1), jnp.zeros((16,), jnp.int32)))
            stage_v[...] = resq
            pltpu.sync_copy(stage_v, idsx_hbm.at[pl.ds(col * 16, 16)])
            return 0

        lax.fori_loop(0, _NT // 16, col_body, 0)
        plsc.subcore_barrier()
        pltpu.sync_copy(idsx_hbm, idsT_v)

        lo = s * _QSLICE

        zeros16 = jnp.zeros((16,), jnp.int32)

        def zero_body(i, _):
            plsc.store_scatter(lab_v, [iota + i * 16], zeros16)
            return 0
        lax.fori_loop(0, _QSLICE // 16, zero_body, 0)

        def scatter_phase(col, carry):
            neg_phase = carry
            ids16 = plsc.load_gather(idsT_v, [col * 16 + iota])
            ids16 = ids16 & (_NQ - 1)
            inrange = (ids16 >= lo) & (ids16 < lo + _QSLICE)
            lane_ok = jnp.where(neg_phase == 1, (iota >= _POS) & (iota < _TOPK),
                                iota < _POS)
            val = jnp.full((16,), 0, jnp.int32) + jnp.where(neg_phase == 1, -1, 1)
            plsc.store_scatter(lab_v, [ids16 - lo], val, mask=inrange & lane_ok)
            return carry

        lax.fori_loop(0, _NT, scatter_phase, jnp.int32(1))
        lax.fori_loop(0, _NT, scatter_phase, jnp.int32(0))
        pltpu.sync_copy(lab_v, labels_hbm.at[pl.ds(lo, _QSLICE)])

        def key_body(k, _):
            j = iota + k * 16
            colv = j // _POS
            rankv = j - colv * _POS
            g = plsc.load_gather(idsT_v, [colv * 16 + rankv])
            plsc.store_scatter(keys_v, [j], g * _NT + colv)
            return 0
        lax.fori_loop(0, _N_PAIR // 16, key_body, 0)

        def rank_one(k):
            a = plsc.load_gather(keys_v, [iota + k * 16])

            def inner(t, acc):
                b = t // 16
                r = t - b * 16
                rot = plsc.load_gather(keys_v, [b * 16 + ((iota + r) & 15)])
                return acc + jnp.where(rot < a, 1, 0).astype(jnp.int32)

            rank = lax.fori_loop(0, _N_PAIR, inner, jnp.zeros((16,), jnp.int32))
            stage_v[...] = rank
            pltpu.sync_copy(stage_v, rankx_hbm.at[pl.ds(k * 16, 16)])

        n_vec = _N_PAIR // 16
        for m in range((n_vec + 15) // 16):
            k = s + m * 16

            @pl.when(k < n_vec)
            def _():
                rank_one(k)

        plsc.subcore_barrier()

        @pl.when(s == 0)
        def _():
            pltpu.sync_copy(rankx_hbm, rankall_v)

            def place(k, _):
                keys = plsc.load_gather(keys_v, [iota + k * 16])
                rk = plsc.load_gather(rankall_v, [iota + k * 16])
                plsc.store_scatter(qry_v, [rk], keys >> 7)
                plsc.store_scatter(tgt_v, [rk], keys & (_NT - 1))
                return 0
            lax.fori_loop(0, n_vec, place, 0)
            pltpu.sync_copy(qry_v, qry_hbm)
            pltpu.sync_copy(tgt_v, tgt_hbm)


def _sc_post(sim_matrix, selT):
    fn = functools.partial(
        pl.kernel,
        mesh=_sc_mesh(),
        out_type=[jax.ShapeDtypeStruct((_NQ,), jnp.int32),
                  jax.ShapeDtypeStruct((_N_PAIR,), jnp.int32),
                  jax.ShapeDtypeStruct((_N_PAIR,), jnp.int32),
                  jax.ShapeDtypeStruct((_NT * 16,), jnp.int32),
                  jax.ShapeDtypeStruct((_N_PAIR,), jnp.int32)],
        scratch_types=[pltpu.VMEM((_NT * 16,), jnp.int32),
                       pltpu.VMEM((_NT * 16,), jnp.int32),
                       pltpu.VMEM((_QSLICE,), jnp.int32),
                       pltpu.VMEM((_N_PAIR,), jnp.int32),
                       pltpu.VMEM((16,), jnp.int32),
                       pltpu.VMEM((_N_PAIR,), jnp.int32),
                       pltpu.VMEM((_N_PAIR,), jnp.int32),
                       pltpu.VMEM((_N_PAIR,), jnp.int32),
                       pltpu.VMEM((_NCAND, _NT), jnp.float32),
                       pltpu.SemaphoreType.DMA],
        compiler_params=pltpu.CompilerParams(needs_layout_passes=False),
    )(_sc_post_body)
    labels, qry, tgt, _ids_x, _rank_x = fn(sim_matrix, selT)
    return labels, qry, tgt


def kernel(sim_matrix):
    sel = pl.pallas_call(
        _gsel_kernel,
        grid=(_TOPK,),
        in_specs=[pl.BlockSpec((_NQ, _NT), lambda t: (0, 0))],
        out_specs=pl.BlockSpec((16, _NT), lambda t: (0, 0)),
        out_shape=jax.ShapeDtypeStruct((16, _NT), jnp.int32),
        scratch_shapes=[pltpu.VMEM((_NG, _NT), jnp.float32),
                        pltpu.VMEM((_NG, _NT), jnp.int32),
                        pltpu.VMEM((1, _NT), jnp.float32),
                        pltpu.VMEM((1, _NT), jnp.int32)],
    )(sim_matrix)

    selT = sel.T.reshape(_NT * 16)
    labels, qry, tgt = _sc_post(sim_matrix, selT)
    return labels, qry, tgt

# --- scband reference (transcript-rebuilt; emitter-appended) ---
"""Pipeline reference for scband-sim-matcher-12257836663525 (READ-ONLY COPY).

The authoritative reference and input builder live on the scoring server;
editing this copy changes nothing except your own understanding.
"""

import jax, jax.numpy as jnp
import numpy as np

# SimMatcher config: mode='static', static_mode='rel', rel_pos=5, rel_neg=10,
# get_top_qry_ids=False, allow_multi_tgt=True
REL_POS = 5
REL_NEG = 10

NUM_QRYS = 32768
NUM_TGTS = 128


def setup_inputs(seed: int = 0) -> dict:
    key = jax.random.key(seed)
    sim_matrix = jax.random.normal(key, (NUM_QRYS, NUM_TGTS), dtype=jnp.float32)
    return {"sim_matrix": sim_matrix}


def reference(sim_matrix):
    num_qrys, num_targets = sim_matrix.shape
    # top_limit = max(rel_neg, int(get_top_qry_ids) * top_limit) = max(10, 0) = 10
    top_limit = max(REL_NEG, 0)
    # torch.topk(sim_matrix, top_limit, dim=0, sorted=True).indices -> [top_limit, T]
    _, top_qry_ids_t = jax.lax.top_k(sim_matrix.T, top_limit)  # [T, top_limit]
    top_qry_ids = top_qry_ids_t.T  # [top_limit, T]

    cols = jnp.arange(num_targets)

    pos_ids = top_qry_ids[:REL_POS, :]  # [rel_pos, T]
    rel_pos_mask = jnp.zeros((num_qrys, num_targets), dtype=bool)
    rel_pos_mask = rel_pos_mask.at[pos_ids, cols].set(True)

    non_neg_ids = top_qry_ids[:REL_NEG, :]  # [rel_neg, T]
    rel_neg_mask = jnp.ones((num_qrys, num_targets), dtype=bool)
    rel_neg_mask = rel_neg_mask.at[non_neg_ids, cols].set(False)

    # static_mode == 'rel'
    pos_mask = rel_pos_mask
    neg_mask = rel_neg_mask

    # allow_multi_tgt=True -> no best-target restriction
    match_labels = jnp.full((num_qrys,), -1, dtype=jnp.int32)
    match_labels = jnp.where(pos_mask.sum(axis=1) > 0, 1, match_labels)
    match_labels = jnp.where(neg_mask.sum(axis=1) == num_targets, 0, match_labels)

    matched_qry_ids, matched_tgt_ids = jnp.nonzero(pos_mask, size=REL_POS * num_targets)
    return (match_labels, matched_qry_ids.astype(jnp.int32), matched_tgt_ids.astype(jnp.int32))

if __name__ == "__main__":
    import jax
    _d = setup_inputs()
    print(jax.jit(kernel)(*tuple(_d.values())))

</pallas_src>

<mosaic_0001>
#map = affine_map<(d0, d1) -> (0, 0)>
#map1 = affine_map<(d0, d1) -> (0)>
module attributes {stable_mosaic.version = 14 : i64} {
  func.func @_sc_post_body(%arg0: i32, %arg1: i32, %arg2: memref<32768x128xf32, #tpu.memory_space<hbm>>, %arg3: memref<2048xi32, #tpu.memory_space<hbm>>, %arg4: memref<32768xi32, #tpu.memory_space<hbm>>, %arg5: memref<640xi32, #tpu.memory_space<hbm>>, %arg6: memref<640xi32, #tpu.memory_space<hbm>>, %arg7: memref<2048xi32, #tpu.memory_space<hbm>>, %arg8: memref<640xi32, #tpu.memory_space<hbm>>, %arg9: memref<2048xi32, #tpu.memory_space<vmem>>, %arg10: memref<2048xi32, #tpu.memory_space<vmem>>, %arg11: memref<2048xi32, #tpu.memory_space<vmem>>, %arg12: memref<640xi32, #tpu.memory_space<vmem>>, %arg13: memref<16xi32, #tpu.memory_space<vmem>>, %arg14: memref<640xi32, #tpu.memory_space<vmem>>, %arg15: memref<640xi32, #tpu.memory_space<vmem>>, %arg16: memref<640xi32, #tpu.memory_space<vmem>>, %arg17: memref<80x128xf32, #tpu.memory_space<vmem>>, %arg18: memref<!tpu.dma_semaphore, #tpu.memory_space<semaphore_mem>>) attributes {dimension_semantics = [#tpu.dimension_semantics<core_parallel>, #tpu.dimension_semantics<subcore_parallel>], iteration_bounds = array<i64: 2, 16>, scalar_prefetch = 0 : i64, scratch_operands = 10 : i64, tpu.core_type = #tpu.core_type<sc_vector_subcore>, window_params = [{transform_indices = #map}, {transform_indices = #map1}, {transform_indices = #map1}, {transform_indices = #map1}, {transform_indices = #map1}, {transform_indices = #map1}, {transform_indices = #map1}]} {
    %iota3A = tpu.iota {dimensions = array<i32: 0>} : vector<16xi32>
    %eq3A = arith.constant 0 : i32
    %eq3A_0 = arith.cmpi eq, %arg0, %eq3A : i32
    %convert_element_type3A = arith.extui %eq3A_0 : i1 to i32
    %cond3A = arith.constant 0 : i32
    %cond3A_1 = arith.cmpi ne, %convert_element_type3A, %cond3A : i32
    scf.if %cond3A_1 {
      "tpu.region"() ({
        %run_scoped3A = tpu.sem_alloc : memref<!tpu.dma_semaphore, #tpu.memory_space<semaphore_mem>>
        tpu.enqueue_dma source(%arg3 : memref<2048xi32, #tpu.memory_space<hbm>>) target(%arg9 : memref<2048xi32, #tpu.memory_space<vmem>>) target_semaphore(%run_scoped3A : memref<!tpu.dma_semaphore, #tpu.memory_space<semaphore_mem>>)
        tpu.wait_dma2 semaphore(%run_scoped3A : memref<!tpu.dma_semaphore, #tpu.memory_space<semaphore_mem>>) src(%arg3 : memref<2048xi32, #tpu.memory_space<hbm>>) dst(%arg9 : memref<2048xi32, #tpu.memory_space<vmem>>)
        tpu.yield
      }) : () -> ()
      %scan3A = arith.constant 0 : i32
      %scan3A_2 = arith.constant 0 : i32
      %scan3A_3 = arith.constant 8 : i32
      %scan3A_4 = arith.addi %scan3A_2, %scan3A_3 : i32
      %scan3A_5 = arith.constant 1 : i32
      %scan3A_6 = scf.for %scan3A_61 = %scan3A_2 to %scan3A_4 step %scan3A_5 iter_args(%scan3A_62 = %scan3A) -> (i32)  : i32 {
        %mul3A_63 = arith.constant 8 : i32
        %mul3A_64 = arith.muli %arg1, %mul3A_63 : i32
        %add3A_65 = arith.addi %mul3A_64, %scan3A_61 : i32
        %broadcast_in_dim3A_66 = arith.constant 1 : i32
        %broadcast_in_dim3A_67 = vector.broadcast %broadcast_in_dim3A_66 : i32 to vector<16xi32>
        %mul3A_68 = vector.broadcast %add3A_65 : i32 to vector<16xi32>
        %mul3A_69 = arith.muli %broadcast_in_dim3A_67, %mul3A_68 : vector<16xi32>
        %add3A_70 = arith.constant 0 : i32
        %add3A_71 = vector.broadcast %add3A_70 : i32 to vector<16xi32>
        %add3A_72 = arith.addi %iota3A, %add3A_71 : vector<16xi32>
        %shift_right_arithmetic3A = arith.constant 3 : i32
        %shift_right_arithmetic3A_73 = vector.broadcast %shift_right_arithmetic3A : i32 to vector<16xi32>
        %shift_right_arithmetic3A_74 = arith.shrsi %add3A_72, %shift_right_arithmetic3A_73 : vector<16xi32>
        %and3A = arith.constant 7 : i32
        %and3A_75 = vector.broadcast %and3A : i32 to vector<16xi32>
        %and3A_76 = arith.andi %add3A_72, %and3A_75 : vector<16xi32>
        %mul3A_77 = arith.constant 16 : i32
        %mul3A_78 = arith.muli %add3A_65, %mul3A_77 : i32
        %add3A_79 = vector.broadcast %mul3A_78 : i32 to vector<16xi32>
        %add3A_80 = arith.addi %add3A_79, %shift_right_arithmetic3A_74 : vector<16xi32>
        %gather3A = tpu.vector_load_idx %arg9[%add3A_80] : memref<2048xi32, #tpu.memory_space<vmem>>[vector<16xi32>], vector<16xi32>,
        %and3A_81 = arith.constant 4095 : i32
        %and3A_82 = vector.broadcast %and3A_81 : i32 to vector<16xi32>
        %and3A_83 = arith.andi %gather3A, %and3A_82 : vector<16xi32>
        %shift_left3A = arith.constant 12 : i32
        %shift_left3A_84 = vector.broadcast %shift_left3A : i32 to vector<16xi32>
        %shift_left3A_85 = arith.shli %and3A_76, %shift_left3A_84 : vector<16xi32>
        %add3A_86 = arith.addi %and3A_83, %shift_left3A_85 : vector<16xi32>
        %dma_start3A = arith.constant 0 : i32
        %dma_start3A_87 = arith.constant 0 : i32
        %dma_start3A_88 = tpu.memref_slice %arg17[%dma_start3A, %dma_start3A_87] : memref<80x128xf32, #tpu.memory_space<vmem>> -> memref<16x128xf32, #tpu.memory_space<vmem>>
        %dma_start3A_89 = arith.constant 0 : i32
        %dma_start3A_90 = arith.constant 0 : i32
        %dma_start3A_91 = tpu.memref_slice %arg2[%dma_start3A_89, %dma_start3A_90] : memref<32768x128xf32, #tpu.memory_space<hbm>> -> memref<32768x128xf32, #tpu.memory_space<hbm>>
        tpu.enqueue_indirect_dma source(%dma_start3A_91 : memref<32768x128xf32, #tpu.memory_space<hbm>>) target(%dma_start3A_88 : memref<16x128xf32, #tpu.memory_space<vmem>>) offsets(%add3A_86 : vector<16xi32>) semaphore(%arg18 : memref<!tpu.dma_semaphore, #tpu.memory_space<semaphore_mem>>)
        %dma_wait3A = arith.constant 0 : i32
        %dma_wait3A_92 = arith.constant 0 : i32
        %dma_wait3A_93 = tpu.memref_slice %arg17[%dma_wait3A, %dma_wait3A_92] : memref<80x128xf32, #tpu.memory_space<vmem>> -> memref<16x128xf32, #tpu.memory_space<vmem>>
        %dma_wait3A_94 = arith.constant 0 : i32
        %dma_wait3A_95 = arith.constant 0 : i32
        %dma_wait3A_96 = tpu.memref_slice %arg2[%dma_wait3A_94, %dma_wait3A_95] : memref<32768x128xf32, #tpu.memory_space<hbm>> -> memref<32768x128xf32, #tpu.memory_space<hbm>>
        tpu.wait_indirect_dma semaphore(%arg18 : memref<!tpu.dma_semaphore, #tpu.memory_space<semaphore_mem>>) src(%dma_wait3A_96 : memref<32768x128xf32, #tpu.memory_space<hbm>>) dst(%dma_wait3A_93 : memref<16x128xf32, #tpu.memory_space<vmem>>)
        %add3A_97 = arith.constant 16 : i32
        %add3A_98 = vector.broadcast %add3A_97 : i32 to vector<16xi32>
        %add3A_99 = arith.addi %iota3A, %add3A_98 : vector<16xi32>
        %shift_right_arithmetic3A_100 = arith.constant 3 : i32
        %shift_right_arithmetic3A_101 = vector.broadcast %shift_right_arithmetic3A_100 : i32 to vector<16xi32>
        %shift_right_arithmetic3A_102 = arith.shrsi %add3A_99, %shift_right_arithmetic3A_101 : vector<16xi32>
        %and3A_103 = arith.constant 7 : i32
        %and3A_104 = vector.broadcast %and3A_103 : i32 to vector<16xi32>
        %and3A_105 = arith.andi %add3A_99, %and3A_104 : vector<16xi32>
        %mul3A_106 = arith.constant 16 : i32
        %mul3A_107 = arith.muli %add3A_65, %mul3A_106 : i32
        %add3A_108 = vector.broadcast %mul3A_107 : i32 to vector<16xi32>
        %add3A_109 = arith.addi %add3A_108, %shift_right_arithmetic3A_102 : vector<16xi32>
        %gather3A_110 = tpu.vector_load_idx %arg9[%add3A_109] : memref<2048xi32, #tpu.memory_space<vmem>>[vector<16xi32>], vector<16xi32>,
        %and3A_111 = arith.constant 4095 : i32
        %and3A_112 = vector.broadcast %and3A_111 : i32 to vector<16xi32>
        %and3A_113 = arith.andi %gather3A_110, %and3A_112 : vector<16xi32>
        %shift_left3A_114 = arith.constant 12 : i32
        %shift_left3A_115 = vector.broadcast %shift_left3A_114 : i32 to vector<16xi32>
        %shift_left3A_116 = arith.shli %and3A_105, %shift_left3A_115 : vector<16xi32>
        %add3A_117 = arith.addi %and3A_113, %shift_left3A_116 : vector<16xi32>
        %dma_start3A_118 = arith.constant 16 : i32
        %dma_start3A_119 = arith.constant 0 : i32
        %dma_start3A_120 = tpu.memref_slice %arg17[%dma_start3A_118, %dma_start3A_119] : memref<80x128xf32, #tpu.memory_space<vmem>> -> memref<16x128xf32, #tpu.memory_space<vmem>>
        %dma_start3A_121 = arith.constant 0 : i32
        %dma_start3A_122 = arith.constant 0 : i32
        %dma_start3A_123 = tpu.memref_slice %arg2[%dma_start3A_121, %dma_start3A_122] : memref<32768x128xf32, #tpu.memory_space<hbm>> -> memref<32768x128xf32, #tpu.memory_space<hbm>>
        tpu.enqueue_indirect_dma source(%dma_start3A_123 : memref<32768x128xf32, #tpu.memory_space<hbm>>) target(%dma_start3A_120 : memref<16x128xf32, #tpu.memory_space<vmem>>) offsets(%add3A_117 : vector<16xi32>) semaphore(%arg18 : memref<!tpu.dma_semaphore, #tpu.memory_space<semaphore_mem>>)
        %dma_wait3A_124 = arith.constant 16 : i32
        %dma_wait3A_125 = arith.constant 0 : i32
        %dma_wait3A_126 = tpu.memref_slice %arg17[%dma_wait3A_124, %dma_wait3A_125] : memref<80x128xf32, #tpu.memory_space<vmem>> -> memref<16x128xf32, #tpu.memory_space<vmem>>
        %dma_wait3A_127 = arith.constant 0 : i32
        %dma_wait3A_128 = arith.constant 0 : i32
        %dma_wait3A_129 = tpu.memref_slice %arg2[%dma_wait3A_127, %dma_wait3A_128] : memref<32768x128xf32, #tpu.memory_space<hbm>> -> memref<32768x128xf32, #tpu.memory_space<hbm>>
        tpu.wait_indirect_dma semaphore(%arg18 : memref<!tpu.dma_semaphore, #tpu.memory_space<semaphore_mem>>) src(%dma_wait3A_129 : memref<32768x128xf32, #tpu.memory_space<hbm>>) dst(%dma_wait3A_126 : memref<16x128xf32, #tpu.memory_space<vmem>>)
        %add3A_130 = arith.constant 32 : i32
        %add3A_131 = vector.broadcast %add3A_130 : i32 to vector<16xi32>
        %add3A_132 = arith.addi %iota3A, %add3A_131 : vector<16xi32>
        %shift_right_arithmetic3A_133 = arith.constant 3 : i32
        %shift_right_arithmetic3A_134 = vector.broadcast %shift_right_arithmetic3A_133 : i32 to vector<16xi32>
        %shift_right_arithmetic3A_135 = arith.shrsi %add3A_132, %shift_right_arithmetic3A_134 : vector<16xi32>
        %and3A_136 = arith.constant 7 : i32
        %and3A_137 = vector.broadcast %and3A_136 : i32 to vector<16xi32>
        %and3A_138 = arith.andi %add3A_132, %and3A_137 : vector<16xi32>
        %mul3A_139 = arith.constant 16 : i32
        %mul3A_140 = arith.muli %add3A_65, %mul3A_139 : i32
        %add3A_141 = vector.broadcast %mul3A_140 : i32 to vector<16xi32>
        %add3A_142 = arith.addi %add3A_141, %shift_right_arithmetic3A_135 : vector<16xi32>
        %gather3A_143 = tpu.vector_load_idx %arg9[%add3A_142] : memref<2048xi32, #tpu.memory_space<vmem>>[vector<16xi32>], vector<16xi32>,
        %and3A_144 = arith.constant 4095 : i32
        %and3A_145 = vector.broadcast %and3A_144 : i32 to vector<16xi32>
        %and3A_146 = arith.andi %gather3A_143, %and3A_145 : vector<16xi32>
        %shift_left3A_147 = arith.constant 12 : i32
        %shift_left3A_148 = vector.broadcast %shift_left3A_147 : i32 to vector<16xi32>
        %shift_left3A_149 = arith.shli %and3A_138, %shift_left3A_148 : vector<16xi32>
        %add3A_150 = arith.addi %and3A_146, %shift_left3A_149 : vector<16xi32>
        %dma_start3A_151 = arith.constant 32 : i32
        %dma_start3A_152 = arith.constant 0 : i32
        %dma_start3A_153 = tpu.memref_slice %arg17[%dma_start3A_151, %dma_start3A_152] : memref<80x128xf32, #tpu.memory_space<vmem>> -> memref<16x128xf32, #tpu.memory_space<vmem>>
        %dma_start3A_154 = arith.constant 0 : i32
        %dma_start3A_155 = arith.constant 0 : i32
        %dma_start3A_156 = tpu.memref_slice %arg2[%dma_start3A_154, %dma_start3A_155] : memref<32768x128xf32, #tpu.memory_space<hbm>> -> memref<32768x128xf32, #tpu.memory_space<hbm>>
        tpu.enqueue_indirect_dma source(%dma_start3A_156 : memref<32768x128xf32, #tpu.memory_space<hbm>>) target(%dma_start3A_153 : memref<16x128xf32, #tpu.memory_space<vmem>>) offsets(%add3A_150 : vector<16xi32>) semaphore(%arg18 : memref<!tpu.dma_semaphore, #tpu.memory_space<semaphore_mem>>)
        %dma_wait3A_157 = arith.constant 32 : i32
        %dma_wait3A_158 = arith.constant 0 : i32
        %dma_wait3A_159 = tpu.memref_slice %arg17[%dma_wait3A_157, %dma_wait3A_158] : memref<80x128xf32, #tpu.memory_space<vmem>> -> memref<16x128xf32, #tpu.memory_space<vmem>>
        %dma_wait3A_160 = arith.constant 0 : i32
        %dma_wait3A_161 = arith.constant 0 : i32
        %dma_wait3A_162 = tpu.memref_slice %arg2[%dma_wait3A_160, %dma_wait3A_161] : memref<32768x128xf32, #tpu.memory_space<hbm>> -> memref<32768x128xf32, #tpu.memory_space<hbm>>
        tpu.wait_indirect_dma semaphore(%arg18 : memref<!tpu.dma_semaphore, #tpu.memory_space<semaphore_mem>>) src(%dma_wait3A_162 : memref<32768x128xf32, #tpu.memory_space<hbm>>) dst(%dma_wait3A_159 : memref<16x128xf32, #tpu.memory_space<vmem>>)
        %add3A_163 = arith.constant 48 : i32
        %add3A_164 = vector.broadcast %add3A_163 : i32 to vector<16xi32>
        %add3A_165 = arith.addi %iota3A, %add3A_164 : vector<16xi32>
        %shift_right_arithmetic3A_166 = arith.constant 3 : i32
        %shift_right_arithmetic3A_167 = vector.broadcast %shift_right_arithmetic3A_166 : i32 to vector<16xi32>
        %shift_right_arithmetic3A_168 = arith.shrsi %add3A_165, %shift_right_arithmetic3A_167 : vector<16xi32>
        %and3A_169 = arith.constant 7 : i32
        %and3A_170 = vector.broadcast %and3A_169 : i32 to vector<16xi32>
        %and3A_171 = arith.andi %add3A_165, %and3A_170 : vector<16xi32>
        %mul3A_172 = arith.constant 16 : i32
        %mul3A_173 = arith.muli %add3A_65, %mul3A_172 : i32
        %add3A_174 = vector.broadcast %mul3A_173 : i32 to vector<16xi32>
        %add3A_175 = arith.addi %add3A_174, %shift_right_arithmetic3A_168 : vector<16xi32>
        %gather3A_176 = tpu.vector_load_idx %arg9[%add3A_175] : memref<2048xi32, #tpu.memory_space<vmem>>[vector<16xi32>], vector<16xi32>,
        %and3A_177 = arith.constant 4095 : i32
        %and3A_178 = vector.broadcast %and3A_177 : i32 to vector<16xi32>
        %and3A_179 = arith.andi %gather3A_176, %and3A_178 : vector<16xi32>
        %shift_left3A_180 = arith.constant 12 : i32
        %shift_left3A_181 = vector.broadcast %shift_left3A_180 : i32 to vector<16xi32>
        %shift_left3A_182 = arith.shli %and3A_171, %shift_left3A_181 : vector<16xi32>
        %add3A_183 = arith.addi %and3A_179, %shift_left3A_182 : vector<16xi32>
        %dma_start3A_184 = arith.constant 48 : i32
        %dma_start3A_185 = arith.constant 0 : i32
        %dma_start3A_186 = tpu.memref_slice %arg17[%dma_start3A_184, %dma_start3A_185] : memref<80x128xf32, #tpu.memory_space<vmem>> -> memref<16x128xf32, #tpu.memory_space<vmem>>
        %dma_start3A_187 = arith.constant 0 : i32
        %dma_start3A_188 = arith.constant 0 : i32
        %dma_start3A_189 = tpu.memref_slice %arg2[%dma_start3A_187, %dma_start3A_188] : memref<32768x128xf32, #tpu.memory_space<hbm>> -> memref<32768x128xf32, #tpu.memory_space<hbm>>
        tpu.enqueue_indirect_dma source(%dma_start3A_189 : memref<32768x128xf32, #tpu.memory_space<hbm>>) target(%dma_start3A_186 : memref<16x128xf32, #tpu.memory_space<vmem>>) offsets(%add3A_183 : vector<16xi32>) semaphore(%arg18 : memref<!tpu.dma_semaphore, #tpu.memory_space<semaphore_mem>>)
        %dma_wait3A_190 = arith.constant 48 : i32
        %dma_wait3A_191 = arith.constant 0 : i32
        %dma_wait3A_192 = tpu.memref_slice %arg17[%dma_wait3A_190, %dma_wait3A_191] : memref<80x128xf32, #tpu.memory_space<vmem>> -> memref<16x128xf32, #tpu.memory_space<vmem>>
        %dma_wait3A_193 = arith.constant 0 : i32
        %dma_wait3A_194 = arith.constant 0 : i32
        %dma_wait3A_195 = tpu.memref_slice %arg2[%dma_wait3A_193, %dma_wait3A_194] : memref<32768x128xf32, #tpu.memory_space<hbm>> -> memref<32768x128xf32, #tpu.memory_space<hbm>>
        tpu.wait_indirect_dma semaphore(%arg18 : memref<!tpu.dma_semaphore, #tpu.memory_space<semaphore_mem>>) src(%dma_wait3A_195 : memref<32768x128xf32, #tpu.memory_space<hbm>>) dst(%dma_wait3A_192 : memref<16x128xf32, #tpu.memory_space<vmem>>)
        %add3A_196 = arith.constant 64 : i32
        %add3A_197 = vector.broadcast %add3A_196 : i32 to vector<16xi32>
        %add3A_198 = arith.addi %iota3A, %add3A_197 : vector<16xi32>
        %shift_right_arithmetic3A_199 = arith.constant 3 : i32
        %shift_right_arithmetic3A_200 = vector.broadcast %shift_right_arithmetic3A_199 : i32 to vector<16xi32>
        %shift_right_arithmetic3A_201 = arith.shrsi %add3A_198, %shift_right_arithmetic3A_200 : vector<16xi32>
        %and3A_202 = arith.constant 7 : i32
        %and3A_203 = vector.broadcast %and3A_202 : i32 to vector<16xi32>
        %and3A_204 = arith.andi %add3A_198, %and3A_203 : vector<16xi32>
        %mul3A_205 = arith.constant 16 : i32
        %mul3A_206 = arith.muli %add3A_65, %mul3A_205 : i32
        %add3A_207 = vector.broadcast %mul3A_206 : i32 to vector<16xi32>
        %add3A_208 = arith.addi %add3A_207, %shift_right_arithmetic3A_201 : vector<16xi32>
        %gather3A_209 = tpu.vector_load_idx %arg9[%add3A_208] : memref<2048xi32, #tpu.memory_space<vmem>>[vector<16xi32>], vector<16xi32>,
        %and3A_210 = arith.constant 4095 : i32
        %and3A_211 = vector.broadcast %and3A_210 : i32 to vector<16xi32>
        %and3A_212 = arith.andi %gather3A_209, %and3A_211 : vector<16xi32>
        %shift_left3A_213 = arith.constant 12 : i32
        %shift_left3A_214 = vector.broadcast %shift_left3A_213 : i32 to vector<16xi32>
        %shift_left3A_215 = arith.shli %and3A_204, %shift_left3A_214 : vector<16xi32>
        %add3A_216 = arith.addi %and3A_212, %shift_left3A_215 : vector<16xi32>
        %dma_start3A_217 = arith.constant 64 : i32
        %dma_start3A_218 = arith.constant 0 : i32
        %dma_start3A_219 = tpu.memref_slice %arg17[%dma_start3A_217, %dma_start3A_218] : memref<80x128xf32, #tpu.memory_space<vmem>> -> memref<16x128xf32, #tpu.memory_space<vmem>>
        %dma_start3A_220 = arith.constant 0 : i32
        %dma_start3A_221 = arith.constant 0 : i32
        %dma_start3A_222 = tpu.memref_slice %arg2[%dma_start3A_220, %dma_start3A_221] : memref<32768x128xf32, #tpu.memory_space<hbm>> -> memref<32768x128xf32, #tpu.memory_space<hbm>>
        tpu.enqueue_indirect_dma source(%dma_start3A_222 : memref<32768x128xf32, #tpu.memory_space<hbm>>) target(%dma_start3A_219 : memref<16x128xf32, #tpu.memory_space<vmem>>) offsets(%add3A_216 : vector<16xi32>) semaphore(%arg18 : memref<!tpu.dma_semaphore, #tpu.memory_space<semaphore_mem>>)
        %dma_wait3A_223 = arith.constant 64 : i32
        %dma_wait3A_224 = arith.constant 0 : i32
        %dma_wait3A_225 = tpu.memref_slice %arg17[%dma_wait3A_223, %dma_wait3A_224] : memref<80x128xf32, #tpu.memory_space<vmem>> -> memref<16x128xf32, #tpu.memory_space<vmem>>
        %dma_wait3A_226 = arith.constant 0 : i32
        %dma_wait3A_227 = arith.constant 0 : i32
        %dma_wait3A_228 = tpu.memref_slice %arg2[%dma_wait3A_226, %dma_wait3A_227] : memref<32768x128xf32, #tpu.memory_space<hbm>> -> memref<32768x128xf32, #tpu.memory_space<hbm>>
        tpu.wait_indirect_dma semaphore(%arg18 : memref<!tpu.dma_semaphore, #tpu.memory_space<semaphore_mem>>) src(%dma_wait3A_228 : memref<32768x128xf32, #tpu.memory_space<hbm>>) dst(%dma_wait3A_225 : memref<16x128xf32, #tpu.memory_space<vmem>>)
        %add3A_229 = arith.constant 0 : i32
        %add3A_230 = vector.broadcast %add3A_229 : i32 to vector<16xi32>
        %add3A_231 = arith.addi %iota3A, %add3A_230 : vector<16xi32>
        %gather3A_232 = tpu.vector_load_idx %arg17[%add3A_231, %mul3A_69] : memref<80x128xf32, #tpu.memory_space<vmem>>[vector<16xi32>, vector<16xi32>], vector<16xf32>,
        %add3A_233 = arith.constant 16 : i32
        %add3A_234 = vector.broadcast %add3A_233 : i32 to vector<16xi32>
        %add3A_235 = arith.addi %iota3A, %add3A_234 : vector<16xi32>
        %gather3A_236 = tpu.vector_load_idx %arg17[%add3A_235, %mul3A_69] : memref<80x128xf32, #tpu.memory_space<vmem>>[vector<16xi32>, vector<16xi32>], vector<16xf32>,
        %add3A_237 = arith.constant 32 : i32
        %add3A_238 = vector.broadcast %add3A_237 : i32 to vector<16xi32>
        %add3A_239 = arith.addi %iota3A, %add3A_238 : vector<16xi32>
        %gather3A_240 = tpu.vector_load_idx %arg17[%add3A_239, %mul3A_69] : memref<80x128xf32, #tpu.memory_space<vmem>>[vector<16xi32>, vector<16xi32>], vector<16xf32>,
        %add3A_241 = arith.constant 48 : i32
        %add3A_242 = vector.broadcast %add3A_241 : i32 to vector<16xi32>
        %add3A_243 = arith.addi %iota3A, %add3A_242 : vector<16xi32>
        %gather3A_244 = tpu.vector_load_idx %arg17[%add3A_243, %mul3A_69] : memref<80x128xf32, #tpu.memory_space<vmem>>[vector<16xi32>, vector<16xi32>], vector<16xf32>,
        %add3A_245 = arith.constant 64 : i32
        %add3A_246 = vector.broadcast %add3A_245 : i32 to vector<16xi32>
        %add3A_247 = arith.addi %iota3A, %add3A_246 : vector<16xi32>
        %gather3A_248 = tpu.vector_load_idx %arg17[%add3A_247, %mul3A_69] : memref<80x128xf32, #tpu.memory_space<vmem>>[vector<16xi32>, vector<16xi32>], vector<16xf32>,
        %broadcast_in_dim3A_249 = arith.constant 0 : i32
        %broadcast_in_dim3A_250 = vector.broadcast %broadcast_in_dim3A_249 : i32 to vector<16xi32>
        %scan3A_251 = arith.constant 0x7F800000 : f32
        %scan3A_252 = arith.constant -1 : i32
        %scan3A_253 = arith.constant 0 : i32
        %scan3A_254 = arith.constant 10 : i32
        %scan3A_255 = arith.addi %scan3A_253, %scan3A_254 : i32
        %scan3A_256 = arith.constant 1 : i32
        %scan3A_257:3 = scf.for %scan3A_263 = %scan3A_253 to %scan3A_255 step %scan3A_256 iter_args(%scan3A_264 = %scan3A_251, %scan3A_265 = %scan3A_252, %scan3A_266 = %broadcast_in_dim3A_250) -> (f32, i32, vector<16xi32>)  : i32 {
          %lt3A_267 = vector.broadcast %scan3A_264 : f32 to vector<16xf32>
          %lt3A_268 = arith.cmpf olt, %gather3A_232, %lt3A_267 : vector<16xf32>
          %eq3A_269 = vector.broadcast %scan3A_264 : f32 to vector<16xf32>
          %eq3A_270 = arith.cmpf oeq, %gather3A_232, %eq3A_269 : vector<16xf32>
          %gt3A = vector.broadcast %scan3A_265 : i32 to vector<16xi32>
          %gt3A_271 = arith.cmpi sgt, %add3A_86, %gt3A : vector<16xi32>
          %and3A_272 = arith.andi %eq3A_270, %gt3A_271 : vector<16xi1>
          %or3A = arith.ori %lt3A_268, %and3A_272 : vector<16xi1>
          %jit3A = arith.constant 0xFF800000 : f32
          %broadcast_in_dim3A_273 = vector.broadcast %jit3A : f32 to vector<16xf32>
          %select_n3A = arith.select %or3A, %gather3A_232, %broadcast_in_dim3A_273 : vector<16xi1>, vector<16xf32>
          %lt3A_274 = vector.broadcast %scan3A_264 : f32 to vector<16xf32>
          %lt3A_275 = arith.cmpf olt, %gather3A_236, %lt3A_274 : vector<16xf32>
          %eq3A_276 = vector.broadcast %scan3A_264 : f32 to vector<16xf32>
          %eq3A_277 = arith.cmpf oeq, %gather3A_236, %eq3A_276 : vector<16xf32>
          %gt3A_278 = vector.broadcast %scan3A_265 : i32 to vector<16xi32>
          %gt3A_279 = arith.cmpi sgt, %add3A_117, %gt3A_278 : vector<16xi32>
          %and3A_280 = arith.andi %eq3A_277, %gt3A_279 : vector<16xi1>
          %or3A_281 = arith.ori %lt3A_275, %and3A_280 : vector<16xi1>
          %jit3A_282 = arith.constant 0xFF800000 : f32
          %broadcast_in_dim3A_283 = vector.broadcast %jit3A_282 : f32 to vector<16xf32>
          %select_n3A_284 = arith.select %or3A_281, %gather3A_236, %broadcast_in_dim3A_283 : vector<16xi1>, vector<16xf32>
          %gt3A_285 = arith.cmpf ogt, %select_n3A_284, %select_n3A : vector<16xf32>
          %eq3A_286 = arith.cmpf oeq, %select_n3A_284, %select_n3A : vector<16xf32>
          %lt3A_287 = arith.cmpi slt, %add3A_117, %add3A_86 : vector<16xi32>
          %and3A_288 = arith.andi %eq3A_286, %lt3A_287 : vector<16xi1>
          %or3A_289 = arith.ori %gt3A_285, %and3A_288 : vector<16xi1>
          %select_n3A_290 = arith.select %or3A_289, %add3A_117, %add3A_86 : vector<16xi1>, vector<16xi32>
          %select_n3A_291 = arith.select %or3A_289, %select_n3A_284, %select_n3A : vector<16xi1>, vector<16xf32>
          %lt3A_292 = vector.broadcast %scan3A_264 : f32 to vector<16xf32>
          %lt3A_293 = arith.cmpf olt, %gather3A_240, %lt3A_292 : vector<16xf32>
          %eq3A_294 = vector.broadcast %scan3A_264 : f32 to vector<16xf32>
          %eq3A_295 = arith.cmpf oeq, %gather3A_240, %eq3A_294 : vector<16xf32>
          %gt3A_296 = vector.broadcast %scan3A_265 : i32 to vector<16xi32>
          %gt3A_297 = arith.cmpi sgt, %add3A_150, %gt3A_296 : vector<16xi32>
          %and3A_298 = arith.andi %eq3A_295, %gt3A_297 : vector<16xi1>
          %or3A_299 = arith.ori %lt3A_293, %and3A_298 : vector<16xi1>
          %jit3A_300 = arith.constant 0xFF800000 : f32
          %broadcast_in_dim3A_301 = vector.broadcast %jit3A_300 : f32 to vector<16xf32>
          %select_n3A_302 = arith.select %or3A_299, %gather3A_240, %broadcast_in_dim3A_301 : vector<16xi1>, vector<16xf32>
          %gt3A_303 = arith.cmpf ogt, %select_n3A_302, %select_n3A_291 : vector<16xf32>
          %eq3A_304 = arith.cmpf oeq, %select_n3A_302, %select_n3A_291 : vector<16xf32>
          %lt3A_305 = arith.cmpi slt, %add3A_150, %select_n3A_290 : vector<16xi32>
          %and3A_306 = arith.andi %eq3A_304, %lt3A_305 : vector<16xi1>
          %or3A_307 = arith.ori %gt3A_303, %and3A_306 : vector<16xi1>
          %select_n3A_308 = arith.select %or3A_307, %add3A_150, %select_n3A_290 : vector<16xi1>, vector<16xi32>
          %select_n3A_309 = arith.select %or3A_307, %select_n3A_302, %select_n3A_291 : vector<16xi1>, vector<16xf32>
          %lt3A_310 = vector.broadcast %scan3A_264 : f32 to vector<16xf32>
          %lt3A_311 = arith.cmpf olt, %gather3A_244, %lt3A_310 : vector<16xf32>
          %eq3A_312 = vector.broadcast %scan3A_264 : f32 to vector<16xf32>
          %eq3A_313 = arith.cmpf oeq, %gather3A_244, %eq3A_312 : vector<16xf32>
          %gt3A_314 = vector.broadcast %scan3A_265 : i32 to vector<16xi32>
          %gt3A_315 = arith.cmpi sgt, %add3A_183, %gt3A_314 : vector<16xi32>
          %and3A_316 = arith.andi %eq3A_313, %gt3A_315 : vector<16xi1>
          %or3A_317 = arith.ori %lt3A_311, %and3A_316 : vector<16xi1>
          %jit3A_318 = arith.constant 0xFF800000 : f32
          %broadcast_in_dim3A_319 = vector.broadcast %jit3A_318 : f32 to vector<16xf32>
          %select_n3A_320 = arith.select %or3A_317, %gather3A_244, %broadcast_in_dim3A_319 : vector<16xi1>, vector<16xf32>
          %gt3A_321 = arith.cmpf ogt, %select_n3A_320, %select_n3A_309 : vector<16xf32>
          %eq3A_322 = arith.cmpf oeq, %select_n3A_320, %select_n3A_309 : vector<16xf32>
          %lt3A_323 = arith.cmpi slt, %add3A_183, %select_n3A_308 : vector<16xi32>
          %and3A_324 = arith.andi %eq3A_322, %lt3A_323 : vector<16xi1>
          %or3A_325 = arith.ori %gt3A_321, %and3A_324 : vector<16xi1>
          %select_n3A_326 = arith.select %or3A_325, %add3A_183, %select_n3A_308 : vector<16xi1>, vector<16xi32>
          %select_n3A_327 = arith.select %or3A_325, %select_n3A_320, %select_n3A_309 : vector<16xi1>, vector<16xf32>
          %lt3A_328 = vector.broadcast %scan3A_264 : f32 to vector<16xf32>
          %lt3A_329 = arith.cmpf olt, %gather3A_248, %lt3A_328 : vector<16xf32>
          %eq3A_330 = vector.broadcast %scan3A_264 : f32 to vector<16xf32>
          %eq3A_331 = arith.cmpf oeq, %gather3A_248, %eq3A_330 : vector<16xf32>
          %gt3A_332 = vector.broadcast %scan3A_265 : i32 to vector<16xi32>
          %gt3A_333 = arith.cmpi sgt, %add3A_216, %gt3A_332 : vector<16xi32>
          %and3A_334 = arith.andi %eq3A_331, %gt3A_333 : vector<16xi1>
          %or3A_335 = arith.ori %lt3A_329, %and3A_334 : vector<16xi1>
          %jit3A_336 = arith.constant 0xFF800000 : f32
          %broadcast_in_dim3A_337 = vector.broadcast %jit3A_336 : f32 to vector<16xf32>
          %select_n3A_338 = arith.select %or3A_335, %gather3A_248, %broadcast_in_dim3A_337 : vector<16xi1>, vector<16xf32>
          %gt3A_339 = arith.cmpf ogt, %select_n3A_338, %select_n3A_327 : vector<16xf32>
          %eq3A_340 = arith.cmpf oeq, %select_n3A_338, %select_n3A_327 : vector<16xf32>
          %lt3A_341 = arith.cmpi slt, %add3A_216, %select_n3A_326 : vector<16xi32>
          %and3A_342 = arith.andi %eq3A_340, %lt3A_341 : vector<16xi1>
          %or3A_343 = arith.ori %gt3A_339, %and3A_342 : vector<16xi1>
          %select_n3A_344 = arith.select %or3A_343, %add3A_216, %select_n3A_326 : vector<16xi1>, vector<16xi32>
          %select_n3A_345 = arith.select %or3A_343, %select_n3A_338, %select_n3A_327 : vector<16xi1>, vector<16xf32>
          %reduce_max3A = arith.constant true
          %reduce_max3A_346 = vector.broadcast %reduce_max3A : i1 to vector<16xi1>
          %reduce_max3A_347 = tpu.scan <max>, %select_n3A_345 masked %reduce_max3A_346 : vector<16xf32>, vector<16xi1> -> vector<16xf32>
          %reduce_max3A_348 = vector.extract %reduce_max3A_347[15] : f32 from vector<16xf32>
          %eq3A_349 = vector.broadcast %reduce_max3A_348 : f32 to vector<16xf32>
          %eq3A_350 = arith.cmpf oeq, %select_n3A_345, %eq3A_349 : vector<16xf32>
          %jit3A_351 = arith.constant 1073741824 : i32
          %broadcast_in_dim3A_352 = vector.broadcast %jit3A_351 : i32 to vector<16xi32>
          %select_n3A_353 = arith.select %eq3A_350, %select_n3A_344, %broadcast_in_dim3A_352 : vector<16xi1>, vector<16xi32>
          %reduce_min3A = arith.constant true
          %reduce_min3A_354 = vector.broadcast %reduce_min3A : i1 to vector<16xi1>
          %reduce_min3A_355 = arith.constant -2147483648 : i32
          %reduce_min3A_356 = vector.broadcast %reduce_min3A_355 : i32 to vector<16xi32>
          %reduce_min3A_357 = arith.xori %select_n3A_353, %reduce_min3A_356 : vector<16xi32>
          %reduce_min3A_358 = tpu.scan <min>, %reduce_min3A_357 masked %reduce_min3A_354 : vector<16xi32>, vector<16xi1> -> vector<16xi32>
          %reduce_min3A_359 = arith.xori %reduce_min3A_358, %reduce_min3A_356 : vector<16xi32>
          %reduce_min3A_360 = vector.extract %reduce_min3A_359[15] : i32 from vector<16xi32>
          %eq3A_361 = vector.broadcast %scan3A_263 : i32 to vector<16xi32>
          %eq3A_362 = arith.cmpi eq, %iota3A, %eq3A_361 : vector<16xi32>
          %broadcast_in_dim3A_363 = vector.broadcast %reduce_min3A_360 : i32 to vector<16xi32>
          %select_n3A_364 = arith.select %eq3A_362, %broadcast_in_dim3A_363, %scan3A_266 : vector<16xi1>, vector<16xi32>
          scf.yield %reduce_max3A_348, %reduce_min3A_360, %select_n3A_364 : f32, i32, vector<16xi32>
        }
        %scan3A_258 = arith.constant 10 : i32
        %swap3A = arith.constant 0 : index
        %swap3A_259 = tpu.vector_load %arg13[%swap3A] {strides = array<i32>} : memref<16xi32, #tpu.memory_space<vmem>>, vector<16xi32>,
        tpu.vector_store %arg13[%swap3A], %scan3A_257#2 {strides = array<i32>} : memref<16xi32, #tpu.memory_space<vmem>>, vector<16xi32>,
        %mul3A_260 = arith.constant 16 : i32
        %mul3A_261 = arith.muli %add3A_65, %mul3A_260 : i32
        "tpu.region"() ({
          %run_scoped3A = tpu.sem_alloc : memref<!tpu.dma_semaphore, #tpu.memory_space<semaphore_mem>>
          %dma_start3A_263 = tpu.memref_slice %arg7[%mul3A_261] : memref<2048xi32, #tpu.memory_space<hbm>> -> memref<16xi32, #tpu.memory_space<hbm>>
          %dma_start3A_264 = tpu.memref_slice %arg7[%mul3A_261] : memref<2048xi32, #tpu.memory_space<hbm>> -> memref<16xi32, #tpu.memory_space<hbm>>
          tpu.enqueue_dma source(%arg13 : memref<16xi32, #tpu.memory_space<vmem>>) target(%dma_start3A_264 : memref<16xi32, #tpu.memory_space<hbm>>) target_semaphore(%run_scoped3A : memref<!tpu.dma_semaphore, #tpu.memory_space<semaphore_mem>>)
          %dma_wait3A_265 = tpu.memref_slice %arg7[%mul3A_261] : memref<2048xi32, #tpu.memory_space<hbm>> -> memref<16xi32, #tpu.memory_space<hbm>>
          %dma_wait3A_266 = tpu.memref_slice %arg7[%mul3A_261] : memref<2048xi32, #tpu.memory_space<hbm>> -> memref<16xi32, #tpu.memory_space<hbm>>
          tpu.wait_dma2 semaphore(%run_scoped3A : memref<!tpu.dma_semaphore, #tpu.memory_space<semaphore_mem>>) src(%arg13 : memref<16xi32, #tpu.memory_space<vmem>>) dst(%dma_wait3A_266 : memref<16xi32, #tpu.memory_space<hbm>>)
          tpu.yield
        }) : () -> ()
        %scan3A_262 = arith.constant 0 : i32
        scf.yield %scan3A_262 : i32
      }
      %scan3A_7 = arith.constant 8 : i32
      %barrier3A = arith.constant 0 : index
      tpu.barrier barrier_id(%barrier3A)
      "tpu.region"() ({
        %run_scoped3A = tpu.sem_alloc : memref<!tpu.dma_semaphore, #tpu.memory_space<semaphore_mem>>
        tpu.enqueue_dma source(%arg7 : memref<2048xi32, #tpu.memory_space<hbm>>) target(%arg10 : memref<2048xi32, #tpu.memory_space<vmem>>) target_semaphore(%run_scoped3A : memref<!tpu.dma_semaphore, #tpu.memory_space<semaphore_mem>>)
        tpu.wait_dma2 semaphore(%run_scoped3A : memref<!tpu.dma_semaphore, #tpu.memory_space<semaphore_mem>>) src(%arg7 : memref<2048xi32, #tpu.memory_space<hbm>>) dst(%arg10 : memref<2048xi32, #tpu.memory_space<vmem>>)
        tpu.yield
      }) : () -> ()
      %mul3A = arith.constant 2048 : i32
      %mul3A_8 = arith.muli %arg1, %mul3A : i32
      %broadcast_in_dim3A = arith.constant 0 : i32
      %broadcast_in_dim3A_9 = vector.broadcast %broadcast_in_dim3A : i32 to vector<16xi32>
      %scan3A_10 = arith.constant 0 : i32
      %scan3A_11 = arith.constant 0 : i32
      %scan3A_12 = arith.constant 128 : i32
      %scan3A_13 = arith.addi %scan3A_11, %scan3A_12 : i32
      %scan3A_14 = arith.constant 1 : i32
      %scan3A_15 = scf.for %scan3A_61 = %scan3A_11 to %scan3A_13 step %scan3A_14 iter_args(%scan3A_62 = %scan3A_10) -> (i32)  : i32 {
        %mul3A_63 = arith.constant 16 : i32
        %mul3A_64 = arith.muli %scan3A_61, %mul3A_63 : i32
        %add3A_65 = vector.broadcast %mul3A_64 : i32 to vector<16xi32>
        %add3A_66 = arith.addi %iota3A, %add3A_65 : vector<16xi32>
        tpu.vector_store_idx %arg11[%add3A_66], %broadcast_in_dim3A_9 : memref<2048xi32, #tpu.memory_space<vmem>>[vector<16xi32>], vector<16xi32>,
        %scan3A_67 = arith.constant 0 : i32
        scf.yield %scan3A_67 : i32
      }
      %scan3A_16 = arith.constant 128 : i32
      %scan3A_17 = arith.constant 1 : i32
      %scan3A_18 = arith.constant 0 : i32
      %scan3A_19 = arith.constant 128 : i32
      %scan3A_20 = arith.addi %scan3A_18, %scan3A_19 : i32
      %scan3A_21 = arith.constant 1 : i32
      scf.for %scan3A_61 = %scan3A_18 to %scan3A_20 step %scan3A_21  : i32 {
        %mul3A_62 = arith.constant 16 : i32
        %mul3A_63 = arith.muli %scan3A_61, %mul3A_62 : i32
        %add3A_64 = vector.broadcast %mul3A_63 : i32 to vector<16xi32>
        %add3A_65 = arith.addi %add3A_64, %iota3A : vector<16xi32>
        %gather3A = tpu.vector_load_idx %arg10[%add3A_65] : memref<2048xi32, #tpu.memory_space<vmem>>[vector<16xi32>], vector<16xi32>,
        %and3A = arith.constant 32767 : i32
        %and3A_66 = vector.broadcast %and3A : i32 to vector<16xi32>
        %and3A_67 = arith.andi %gather3A, %and3A_66 : vector<16xi32>
        %ge3A = vector.broadcast %mul3A_8 : i32 to vector<16xi32>
        %ge3A_68 = arith.cmpi sge, %and3A_67, %ge3A : vector<16xi32>
        %add3A_69 = arith.constant 2048 : i32
        %add3A_70 = arith.addi %mul3A_8, %add3A_69 : i32
        %lt3A_71 = vector.broadcast %add3A_70 : i32 to vector<16xi32>
        %lt3A_72 = arith.cmpi slt, %and3A_67, %lt3A_71 : vector<16xi32>
        %and3A_73 = arith.andi %ge3A_68, %lt3A_72 : vector<16xi1>
        %eq3A_74 = arith.constant 1 : i32
        %eq3A_75 = arith.cmpi eq, %scan3A_17, %eq3A_74 : i32
        %ge3A_76 = arith.constant 5 : i32
        %ge3A_77 = vector.broadcast %ge3A_76 : i32 to vector<16xi32>
        %ge3A_78 = arith.cmpi sge, %iota3A, %ge3A_77 : vector<16xi32>
        %lt3A_79 = arith.constant 10 : i32
        %lt3A_80 = vector.broadcast %lt3A_79 : i32 to vector<16xi32>
        %lt3A_81 = arith.cmpi slt, %iota3A, %lt3A_80 : vector<16xi32>
        %and3A_82 = arith.andi %ge3A_78, %lt3A_81 : vector<16xi1>
        %lt3A_83 = arith.constant 5 : i32
        %lt3A_84 = vector.broadcast %lt3A_83 : i32 to vector<16xi32>
        %lt3A_85 = arith.cmpi slt, %iota3A, %lt3A_84 : vector<16xi32>
        %select_n3A = arith.select %eq3A_75, %and3A_82, %lt3A_85 : vector<16xi1>
        %broadcast_in_dim3A_86 = arith.constant 0 : i32
        %broadcast_in_dim3A_87 = vector.broadcast %broadcast_in_dim3A_86 : i32 to vector<16xi32>
        %eq3A_88 = arith.constant 1 : i32
        %eq3A_89 = arith.cmpi eq, %scan3A_17, %eq3A_88 : i32
        %jit3A = arith.constant -1 : i32
        %jit3A_90 = arith.constant 1 : i32
        %select_n3A_91 = arith.select %eq3A_89, %jit3A, %jit3A_90 : i32
        %add3A_92 = vector.broadcast %select_n3A_91 : i32 to vector<16xi32>
        %add3A_93 = arith.addi %broadcast_in_dim3A_87, %add3A_92 : vector<16xi32>
        %sub3A = vector.broadcast %mul3A_8 : i32 to vector<16xi32>
        %sub3A_94 = arith.subi %and3A_67, %sub3A : vector<16xi32>
        %and3A_95 = arith.andi %and3A_73, %select_n3A : vector<16xi1>
        tpu.vector_store_idx %arg11[%sub3A_94], %add3A_93 masked %and3A_95 : memref<2048xi32, #tpu.memory_space<vmem>>[vector<16xi32>], vector<16xi32>, vector<16xi1>
      }
      %scan3A_22 = arith.constant 128 : i32
      %scan3A_23 = arith.constant 0 : i32
      %scan3A_24 = arith.constant 0 : i32
      %scan3A_25 = arith.constant 128 : i32
      %scan3A_26 = arith.addi %scan3A_24, %scan3A_25 : i32
      %scan3A_27 = arith.constant 1 : i32
      scf.for %scan3A_61 = %scan3A_24 to %scan3A_26 step %scan3A_27  : i32 {
        %mul3A_62 = arith.constant 16 : i32
        %mul3A_63 = arith.muli %scan3A_61, %mul3A_62 : i32
        %add3A_64 = vector.broadcast %mul3A_63 : i32 to vector<16xi32>
        %add3A_65 = arith.addi %add3A_64, %iota3A : vector<16xi32>
        %gather3A = tpu.vector_load_idx %arg10[%add3A_65] : memref<2048xi32, #tpu.memory_space<vmem>>[vector<16xi32>], vector<16xi32>,
        %and3A = arith.constant 32767 : i32
        %and3A_66 = vector.broadcast %and3A : i32 to vector<16xi32>
        %and3A_67 = arith.andi %gather3A, %and3A_66 : vector<16xi32>
        %ge3A = vector.broadcast %mul3A_8 : i32 to vector<16xi32>
        %ge3A_68 = arith.cmpi sge, %and3A_67, %ge3A : vector<16xi32>
        %add3A_69 = arith.constant 2048 : i32
        %add3A_70 = arith.addi %mul3A_8, %add3A_69 : i32
        %lt3A_71 = vector.broadcast %add3A_70 : i32 to vector<16xi32>
        %lt3A_72 = arith.cmpi slt, %and3A_67, %lt3A_71 : vector<16xi32>
        %and3A_73 = arith.andi %ge3A_68, %lt3A_72 : vector<16xi1>
        %eq3A_74 = arith.constant 1 : i32
        %eq3A_75 = arith.cmpi eq, %scan3A_23, %eq3A_74 : i32
        %ge3A_76 = arith.constant 5 : i32
        %ge3A_77 = vector.broadcast %ge3A_76 : i32 to vector<16xi32>
        %ge3A_78 = arith.cmpi sge, %iota3A, %ge3A_77 : vector<16xi32>
        %lt3A_79 = arith.constant 10 : i32
        %lt3A_80 = vector.broadcast %lt3A_79 : i32 to vector<16xi32>
        %lt3A_81 = arith.cmpi slt, %iota3A, %lt3A_80 : vector<16xi32>
        %and3A_82 = arith.andi %ge3A_78, %lt3A_81 : vector<16xi1>
        %lt3A_83 = arith.constant 5 : i32
        %lt3A_84 = vector.broadcast %lt3A_83 : i32 to vector<16xi32>
        %lt3A_85 = arith.cmpi slt, %iota3A, %lt3A_84 : vector<16xi32>
        %select_n3A = arith.select %eq3A_75, %and3A_82, %lt3A_85 : vector<16xi1>
        %broadcast_in_dim3A_86 = arith.constant 0 : i32
        %broadcast_in_dim3A_87 = vector.broadcast %broadcast_in_dim3A_86 : i32 to vector<16xi32>
        %eq3A_88 = arith.constant 1 : i32
        %eq3A_89 = arith.cmpi eq, %scan3A_23, %eq3A_88 : i32
        %jit3A = arith.constant -1 : i32
        %jit3A_90 = arith.constant 1 : i32
        %select_n3A_91 = arith.select %eq3A_89, %jit3A, %jit3A_90 : i32
        %add3A_92 = vector.broadcast %select_n3A_91 : i32 to vector<16xi32>
        %add3A_93 = arith.addi %broadcast_in_dim3A_87, %add3A_92 : vector<16xi32>
        %sub3A = vector.broadcast %mul3A_8 : i32 to vector<16xi32>
        %sub3A_94 = arith.subi %and3A_67, %sub3A : vector<16xi32>
        %and3A_95 = arith.andi %and3A_73, %select_n3A : vector<16xi1>
        tpu.vector_store_idx %arg11[%sub3A_94], %add3A_93 masked %and3A_95 : memref<2048xi32, #tpu.memory_space<vmem>>[vector<16xi32>], vector<16xi32>, vector<16xi1>
      }
      %scan3A_28 = arith.constant 128 : i32
      "tpu.region"() ({
        %run_scoped3A = tpu.sem_alloc : memref<!tpu.dma_semaphore, #tpu.memory_space<semaphore_mem>>
        %dma_start3A = tpu.memref_slice %arg4[%mul3A_8] : memref<32768xi32, #tpu.memory_space<hbm>> -> memref<2048xi32, #tpu.memory_space<hbm>>
        %dma_start3A_61 = tpu.memref_slice %arg4[%mul3A_8] : memref<32768xi32, #tpu.memory_space<hbm>> -> memref<2048xi32, #tpu.memory_space<hbm>>
        tpu.enqueue_dma source(%arg11 : memref<2048xi32, #tpu.memory_space<vmem>>) target(%dma_start3A_61 : memref<2048xi32, #tpu.memory_space<hbm>>) target_semaphore(%run_scoped3A : memref<!tpu.dma_semaphore, #tpu.memory_space<semaphore_mem>>)
        %dma_wait3A = tpu.memref_slice %arg4[%mul3A_8] : memref<32768xi32, #tpu.memory_space<hbm>> -> memref<2048xi32, #tpu.memory_space<hbm>>
        %dma_wait3A_62 = tpu.memref_slice %arg4[%mul3A_8] : memref<32768xi32, #tpu.memory_space<hbm>> -> memref<2048xi32, #tpu.memory_space<hbm>>
        tpu.wait_dma2 semaphore(%run_scoped3A : memref<!tpu.dma_semaphore, #tpu.memory_space<semaphore_mem>>) src(%arg11 : memref<2048xi32, #tpu.memory_space<vmem>>) dst(%dma_wait3A_62 : memref<2048xi32, #tpu.memory_space<hbm>>)
        tpu.yield
      }) : () -> ()
      %scan3A_29 = arith.constant 0 : i32
      %scan3A_30 = arith.constant 0 : i32
      %scan3A_31 = arith.constant 40 : i32
      %scan3A_32 = arith.addi %scan3A_30, %scan3A_31 : i32
      %scan3A_33 = arith.constant 1 : i32
      %scan3A_34 = scf.for %scan3A_61 = %scan3A_30 to %scan3A_32 step %scan3A_33 iter_args(%scan3A_62 = %scan3A_29) -> (i32)  : i32 {
        %mul3A_63 = arith.constant 16 : i32
        %mul3A_64 = arith.muli %scan3A_61, %mul3A_63 : i32
        %add3A_65 = vector.broadcast %mul3A_64 : i32 to vector<16xi32>
        %add3A_66 = arith.addi %iota3A, %add3A_65 : vector<16xi32>
        %jit3A = arith.constant 5 : i32
        %div3A = vector.broadcast %jit3A : i32 to vector<16xi32>
        %div3A_67 = arith.divsi %add3A_66, %div3A : vector<16xi32>
        %sign3A = arith.constant 0 : i32
        %sign3A_68 = vector.broadcast %sign3A : i32 to vector<16xi32>
        %sign3A_69 = arith.cmpi sgt, %add3A_66, %sign3A_68 : vector<16xi32>
        %sign3A_70 = arith.extui %sign3A_69 : vector<16xi1> to vector<16xi32>
        %sign3A_71 = arith.constant 0 : i32
        %sign3A_72 = vector.broadcast %sign3A_71 : i32 to vector<16xi32>
        %sign3A_73 = arith.cmpi slt, %add3A_66, %sign3A_72 : vector<16xi32>
        %sign3A_74 = arith.extui %sign3A_73 : vector<16xi1> to vector<16xi32>
        %sign3A_75 = arith.subi %sign3A_70, %sign3A_74 : vector<16xi32>
        %sign3A_76 = arith.constant 0 : i32
        %sign3A_77 = arith.cmpi sgt, %jit3A, %sign3A_76 : i32
        %sign3A_78 = arith.extui %sign3A_77 : i1 to i32
        %sign3A_79 = arith.constant 0 : i32
        %sign3A_80 = arith.cmpi slt, %jit3A, %sign3A_79 : i32
        %sign3A_81 = arith.extui %sign3A_80 : i1 to i32
        %sign3A_82 = arith.subi %sign3A_78, %sign3A_81 : i32
        %ne3A = vector.broadcast %sign3A_82 : i32 to vector<16xi32>
        %ne3A_83 = arith.cmpi ne, %sign3A_75, %ne3A : vector<16xi32>
        %rem3A = vector.broadcast %jit3A : i32 to vector<16xi32>
        %rem3A_84 = arith.remsi %add3A_66, %rem3A : vector<16xi32>
        %ne3A_85 = arith.constant 0 : i32
        %ne3A_86 = vector.broadcast %ne3A_85 : i32 to vector<16xi32>
        %ne3A_87 = arith.cmpi ne, %rem3A_84, %ne3A_86 : vector<16xi32>
        %and3A = arith.andi %ne3A_83, %ne3A_87 : vector<16xi1>
        %sub3A = arith.constant 1 : i32
        %sub3A_88 = vector.broadcast %sub3A : i32 to vector<16xi32>
        %sub3A_89 = arith.subi %div3A_67, %sub3A_88 : vector<16xi32>
        %select_n3A = arith.select %and3A, %sub3A_89, %div3A_67 : vector<16xi1>, vector<16xi32>
        %mul3A_90 = arith.constant 5 : i32
        %mul3A_91 = vector.broadcast %mul3A_90 : i32 to vector<16xi32>
        %mul3A_92 = arith.muli %select_n3A, %mul3A_91 : vector<16xi32>
        %sub3A_93 = arith.subi %add3A_66, %mul3A_92 : vector<16xi32>
        %mul3A_94 = arith.constant 16 : i32
        %mul3A_95 = vector.broadcast %mul3A_94 : i32 to vector<16xi32>
        %mul3A_96 = arith.muli %select_n3A, %mul3A_95 : vector<16xi32>
        %add3A_97 = arith.addi %mul3A_96, %sub3A_93 : vector<16xi32>
        %gather3A = tpu.vector_load_idx %arg10[%add3A_97] : memref<2048xi32, #tpu.memory_space<vmem>>[vector<16xi32>], vector<16xi32>,
        %mul3A_98 = arith.constant 128 : i32
        %mul3A_99 = vector.broadcast %mul3A_98 : i32 to vector<16xi32>
        %mul3A_100 = arith.muli %gather3A, %mul3A_99 : vector<16xi32>
        %add3A_101 = arith.addi %mul3A_100, %select_n3A : vector<16xi32>
        tpu.vector_store_idx %arg12[%add3A_66], %add3A_101 : memref<640xi32, #tpu.memory_space<vmem>>[vector<16xi32>], vector<16xi32>,
        %scan3A_102 = arith.constant 0 : i32
        scf.yield %scan3A_102 : i32
      }
      %scan3A_35 = arith.constant 40 : i32
      %add3A = arith.constant 0 : i32
      %add3A_36 = arith.addi %arg1, %add3A : i32
      %lt3A = arith.constant 40 : i32
      %lt3A_37 = arith.cmpi slt, %add3A_36, %lt3A : i32
      %convert_element_type3A_38 = arith.extui %lt3A_37 : i1 to i32
      %cond3A_39 = arith.constant 0 : i32
      %cond3A_40 = arith.cmpi ne, %convert_element_type3A_38, %cond3A_39 : i32
      scf.if %cond3A_40 {
        %mul3A_61 = arith.constant 16 : i32
        %mul3A_62 = arith.muli %add3A_36, %mul3A_61 : i32
        %add3A_63 = vector.broadcast %mul3A_62 : i32 to vector<16xi32>
        %add3A_64 = arith.addi %iota3A, %add3A_63 : vector<16xi32>
        %gather3A = tpu.vector_load_idx %arg12[%add3A_64] : memref<640xi32, #tpu.memory_space<vmem>>[vector<16xi32>], vector<16xi32>,
        %broadcast_in_dim3A_65 = arith.constant 0 : i32
        %broadcast_in_dim3A_66 = vector.broadcast %broadcast_in_dim3A_65 : i32 to vector<16xi32>
        %scan3A_67 = arith.constant 0 : i32
        %scan3A_68 = arith.constant 640 : i32
        %scan3A_69 = arith.addi %scan3A_67, %scan3A_68 : i32
        %scan3A_70 = arith.constant 1 : i32
        %scan3A_71 = scf.for %scan3A_76 = %scan3A_67 to %scan3A_69 step %scan3A_70 iter_args(%scan3A_77 = %broadcast_in_dim3A_66) -> (vector<16xi32>)  : i32 {
          %jit3A = arith.constant 16 : i32
          %div3A = arith.divsi %scan3A_76, %jit3A : i32
          %sign3A = arith.constant 0 : i32
          %sign3A_78 = arith.cmpi sgt, %scan3A_76, %sign3A : i32
          %sign3A_79 = arith.extui %sign3A_78 : i1 to i32
          %sign3A_80 = arith.constant 0 : i32
          %sign3A_81 = arith.cmpi slt, %scan3A_76, %sign3A_80 : i32
          %sign3A_82 = arith.extui %sign3A_81 : i1 to i32
          %sign3A_83 = arith.subi %sign3A_79, %sign3A_82 : i32
          %sign3A_84 = arith.constant 0 : i32
          %sign3A_85 = arith.cmpi sgt, %jit3A, %sign3A_84 : i32
          %sign3A_86 = arith.extui %sign3A_85 : i1 to i32
          %sign3A_87 = arith.constant 0 : i32
          %sign3A_88 = arith.cmpi slt, %jit3A, %sign3A_87 : i32
          %sign3A_89 = arith.extui %sign3A_88 : i1 to i32
          %sign3A_90 = arith.subi %sign3A_86, %sign3A_89 : i32
          %ne3A = arith.cmpi ne, %sign3A_83, %sign3A_90 : i32
          %rem3A = arith.remsi %scan3A_76, %jit3A : i32
          %ne3A_91 = arith.constant 0 : i32
          %ne3A_92 = arith.cmpi ne, %rem3A, %ne3A_91 : i32
          %and3A = arith.andi %ne3A, %ne3A_92 : i1
          %sub3A = arith.constant 1 : i32
          %sub3A_93 = arith.subi %div3A, %sub3A : i32
          %select_n3A = arith.select %and3A, %sub3A_93, %div3A : i32
          %mul3A_94 = arith.constant 16 : i32
          %mul3A_95 = arith.muli %select_n3A, %mul3A_94 : i32
          %sub3A_96 = arith.subi %scan3A_76, %mul3A_95 : i32
          %mul3A_97 = arith.constant 16 : i32
          %mul3A_98 = arith.muli %select_n3A, %mul3A_97 : i32
          %add3A_99 = vector.broadcast %sub3A_96 : i32 to vector<16xi32>
          %add3A_100 = arith.addi %iota3A, %add3A_99 : vector<16xi32>
          %and3A_101 = arith.constant 15 : i32
          %and3A_102 = vector.broadcast %and3A_101 : i32 to vector<16xi32>
          %and3A_103 = arith.andi %add3A_100, %and3A_102 : vector<16xi32>
          %add3A_104 = vector.broadcast %mul3A_98 : i32 to vector<16xi32>
          %add3A_105 = arith.addi %add3A_104, %and3A_103 : vector<16xi32>
          %gather3A_106 = tpu.vector_load_idx %arg12[%add3A_105] : memref<640xi32, #tpu.memory_space<vmem>>[vector<16xi32>], vector<16xi32>,
          %lt3A_107 = arith.cmpi slt, %gather3A_106, %gather3A : vector<16xi32>
          %jit3A_108 = arith.constant 1 : i32
          %jit3A_109 = arith.constant 0 : i32
          %broadcast_in_dim3A_110 = vector.broadcast %jit3A_108 : i32 to vector<16xi32>
          %broadcast_in_dim3A_111 = vector.broadcast %jit3A_109 : i32 to vector<16xi32>
          %select_n3A_112 = arith.select %lt3A_107, %broadcast_in_dim3A_110, %broadcast_in_dim3A_111 : vector<16xi1>, vector<16xi32>
          %add3A_113 = arith.addi %scan3A_77, %select_n3A_112 : vector<16xi32>
          scf.yield %add3A_113 : vector<16xi32>
        }
        %scan3A_72 = arith.constant 640 : i32
        %swap3A = arith.constant 0 : index
        %swap3A_73 = tpu.vector_load %arg13[%swap3A] {strides = array<i32>} : memref<16xi32, #tpu.memory_space<vmem>>, vector<16xi32>,
        tpu.vector_store %arg13[%swap3A], %scan3A_71 {strides = array<i32>} : memref<16xi32, #tpu.memory_space<vmem>>, vector<16xi32>,
        %mul3A_74 = arith.constant 16 : i32
        %mul3A_75 = arith.muli %add3A_36, %mul3A_74 : i32
        "tpu.region"() ({
          %run_scoped3A = tpu.sem_alloc : memref<!tpu.dma_semaphore, #tpu.memory_space<semaphore_mem>>
          %dma_start3A = tpu.memref_slice %arg8[%mul3A_75] : memref<640xi32, #tpu.memory_space<hbm>> -> memref<16xi32, #tpu.memory_space<hbm>>
          %dma_start3A_76 = tpu.memref_slice %arg8[%mul3A_75] : memref<640xi32, #tpu.memory_space<hbm>> -> memref<16xi32, #tpu.memory_space<hbm>>
          tpu.enqueue_dma source(%arg13 : memref<16xi32, #tpu.memory_space<vmem>>) target(%dma_start3A_76 : memref<16xi32, #tpu.memory_space<hbm>>) target_semaphore(%run_scoped3A : memref<!tpu.dma_semaphore, #tpu.memory_space<semaphore_mem>>)
          %dma_wait3A = tpu.memref_slice %arg8[%mul3A_75] : memref<640xi32, #tpu.memory_space<hbm>> -> memref<16xi32, #tpu.memory_space<hbm>>
          %dma_wait3A_77 = tpu.memref_slice %arg8[%mul3A_75] : memref<640xi32, #tpu.memory_space<hbm>> -> memref<16xi32, #tpu.memory_space<hbm>>
          tpu.wait_dma2 semaphore(%run_scoped3A : memref<!tpu.dma_semaphore, #tpu.memory_space<semaphore_mem>>) src(%arg13 : memref<16xi32, #tpu.memory_space<vmem>>) dst(%dma_wait3A_77 : memref<16xi32, #tpu.memory_space<hbm>>)
          tpu.yield
        }) : () -> ()
      } else {
      }
      %add3A_41 = arith.constant 16 : i32
      %add3A_42 = arith.addi %arg1, %add3A_41 : i32
      %lt3A_43 = arith.constant 40 : i32
      %lt3A_44 = arith.cmpi slt, %add3A_42, %lt3A_43 : i32
      %convert_element_type3A_45 = arith.extui %lt3A_44 : i1 to i32
      %cond3A_46 = arith.constant 0 : i32
      %cond3A_47 = arith.cmpi ne, %convert_element_type3A_45, %cond3A_46 : i32
      scf.if %cond3A_47 {
        %mul3A_61 = arith.constant 16 : i32
        %mul3A_62 = arith.muli %add3A_42, %mul3A_61 : i32
        %add3A_63 = vector.broadcast %mul3A_62 : i32 to vector<16xi32>
        %add3A_64 = arith.addi %iota3A, %add3A_63 : vector<16xi32>
        %gather3A = tpu.vector_load_idx %arg12[%add3A_64] : memref<640xi32, #tpu.memory_space<vmem>>[vector<16xi32>], vector<16xi32>,
        %broadcast_in_dim3A_65 = arith.constant 0 : i32
        %broadcast_in_dim3A_66 = vector.broadcast %broadcast_in_dim3A_65 : i32 to vector<16xi32>
        %scan3A_67 = arith.constant 0 : i32
        %scan3A_68 = arith.constant 640 : i32
        %scan3A_69 = arith.addi %scan3A_67, %scan3A_68 : i32
        %scan3A_70 = arith.constant 1 : i32
        %scan3A_71 = scf.for %scan3A_76 = %scan3A_67 to %scan3A_69 step %scan3A_70 iter_args(%scan3A_77 = %broadcast_in_dim3A_66) -> (vector<16xi32>)  : i32 {
          %jit3A = arith.constant 16 : i32
          %div3A = arith.divsi %scan3A_76, %jit3A : i32
          %sign3A = arith.constant 0 : i32
          %sign3A_78 = arith.cmpi sgt, %scan3A_76, %sign3A : i32
          %sign3A_79 = arith.extui %sign3A_78 : i1 to i32
          %sign3A_80 = arith.constant 0 : i32
          %sign3A_81 = arith.cmpi slt, %scan3A_76, %sign3A_80 : i32
          %sign3A_82 = arith.extui %sign3A_81 : i1 to i32
          %sign3A_83 = arith.subi %sign3A_79, %sign3A_82 : i32
          %sign3A_84 = arith.constant 0 : i32
          %sign3A_85 = arith.cmpi sgt, %jit3A, %sign3A_84 : i32
          %sign3A_86 = arith.extui %sign3A_85 : i1 to i32
          %sign3A_87 = arith.constant 0 : i32
          %sign3A_88 = arith.cmpi slt, %jit3A, %sign3A_87 : i32
          %sign3A_89 = arith.extui %sign3A_88 : i1 to i32
          %sign3A_90 = arith.subi %sign3A_86, %sign3A_89 : i32
          %ne3A = arith.cmpi ne, %sign3A_83, %sign3A_90 : i32
          %rem3A = arith.remsi %scan3A_76, %jit3A : i32
          %ne3A_91 = arith.constant 0 : i32
          %ne3A_92 = arith.cmpi ne, %rem3A, %ne3A_91 : i32
          %and3A = arith.andi %ne3A, %ne3A_92 : i1
          %sub3A = arith.constant 1 : i32
          %sub3A_93 = arith.subi %div3A, %sub3A : i32
          %select_n3A = arith.select %and3A, %sub3A_93, %div3A : i32
          %mul3A_94 = arith.constant 16 : i32
          %mul3A_95 = arith.muli %select_n3A, %mul3A_94 : i32
          %sub3A_96 = arith.subi %scan3A_76, %mul3A_95 : i32
          %mul3A_97 = arith.constant 16 : i32
          %mul3A_98 = arith.muli %select_n3A, %mul3A_97 : i32
          %add3A_99 = vector.broadcast %sub3A_96 : i32 to vector<16xi32>
          %add3A_100 = arith.addi %iota3A, %add3A_99 : vector<16xi32>
          %and3A_101 = arith.constant 15 : i32
          %and3A_102 = vector.broadcast %and3A_101 : i32 to vector<16xi32>
          %and3A_103 = arith.andi %add3A_100, %and3A_102 : vector<16xi32>
          %add3A_104 = vector.broadcast %mul3A_98 : i32 to vector<16xi32>
          %add3A_105 = arith.addi %add3A_104, %and3A_103 : vector<16xi32>
          %gather3A_106 = tpu.vector_load_idx %arg12[%add3A_105] : memref<640xi32, #tpu.memory_space<vmem>>[vector<16xi32>], vector<16xi32>,
          %lt3A_107 = arith.cmpi slt, %gather3A_106, %gather3A : vector<16xi32>
          %jit3A_108 = arith.constant 1 : i32
          %jit3A_109 = arith.constant 0 : i32
          %broadcast_in_dim3A_110 = vector.broadcast %jit3A_108 : i32 to vector<16xi32>
          %broadcast_in_dim3A_111 = vector.broadcast %jit3A_109 : i32 to vector<16xi32>
          %select_n3A_112 = arith.select %lt3A_107, %broadcast_in_dim3A_110, %broadcast_in_dim3A_111 : vector<16xi1>, vector<16xi32>
          %add3A_113 = arith.addi %scan3A_77, %select_n3A_112 : vector<16xi32>
          scf.yield %add3A_113 : vector<16xi32>
        }
        %scan3A_72 = arith.constant 640 : i32
        %swap3A = arith.constant 0 : index
        %swap3A_73 = tpu.vector_load %arg13[%swap3A] {strides = array<i32>} : memref<16xi32, #tpu.memory_space<vmem>>, vector<16xi32>,
        tpu.vector_store %arg13[%swap3A], %scan3A_71 {strides = array<i32>} : memref<16xi32, #tpu.memory_space<vmem>>, vector<16xi32>,
        %mul3A_74 = arith.constant 16 : i32
        %mul3A_75 = arith.muli %add3A_42, %mul3A_74 : i32
        "tpu.region"() ({
          %run_scoped3A = tpu.sem_alloc : memref<!tpu.dma_semaphore, #tpu.memory_space<semaphore_mem>>
          %dma_start3A = tpu.memref_slice %arg8[%mul3A_75] : memref<640xi32, #tpu.memory_space<hbm>> -> memref<16xi32, #tpu.memory_space<hbm>>
          %dma_start3A_76 = tpu.memref_slice %arg8[%mul3A_75] : memref<640xi32, #tpu.memory_space<hbm>> -> memref<16xi32, #tpu.memory_space<hbm>>
          tpu.enqueue_dma source(%arg13 : memref<16xi32, #tpu.memory_space<vmem>>) target(%dma_start3A_76 : memref<16xi32, #tpu.memory_space<hbm>>) target_semaphore(%run_scoped3A : memref<!tpu.dma_semaphore, #tpu.memory_space<semaphore_mem>>)
          %dma_wait3A = tpu.memref_slice %arg8[%mul3A_75] : memref<640xi32, #tpu.memory_space<hbm>> -> memref<16xi32, #tpu.memory_space<hbm>>
          %dma_wait3A_77 = tpu.memref_slice %arg8[%mul3A_75] : memref<640xi32, #tpu.memory_space<hbm>> -> memref<16xi32, #tpu.memory_space<hbm>>
          tpu.wait_dma2 semaphore(%run_scoped3A : memref<!tpu.dma_semaphore, #tpu.memory_space<semaphore_mem>>) src(%arg13 : memref<16xi32, #tpu.memory_space<vmem>>) dst(%dma_wait3A_77 : memref<16xi32, #tpu.memory_space<hbm>>)
          tpu.yield
        }) : () -> ()
      } else {
      }
      %add3A_48 = arith.constant 32 : i32
      %add3A_49 = arith.addi %arg1, %add3A_48 : i32
      %lt3A_50 = arith.constant 40 : i32
      %lt3A_51 = arith.cmpi slt, %add3A_49, %lt3A_50 : i32
      %convert_element_type3A_52 = arith.extui %lt3A_51 : i1 to i32
      %cond3A_53 = arith.constant 0 : i32
      %cond3A_54 = arith.cmpi ne, %convert_element_type3A_52, %cond3A_53 : i32
      scf.if %cond3A_54 {
        %mul3A_61 = arith.constant 16 : i32
        %mul3A_62 = arith.muli %add3A_49, %mul3A_61 : i32
        %add3A_63 = vector.broadcast %mul3A_62 : i32 to vector<16xi32>
        %add3A_64 = arith.addi %iota3A, %add3A_63 : vector<16xi32>
        %gather3A = tpu.vector_load_idx %arg12[%add3A_64] : memref<640xi32, #tpu.memory_space<vmem>>[vector<16xi32>], vector<16xi32>,
        %broadcast_in_dim3A_65 = arith.constant 0 : i32
        %broadcast_in_dim3A_66 = vector.broadcast %broadcast_in_dim3A_65 : i32 to vector<16xi32>
        %scan3A_67 = arith.constant 0 : i32
        %scan3A_68 = arith.constant 640 : i32
        %scan3A_69 = arith.addi %scan3A_67, %scan3A_68 : i32
        %scan3A_70 = arith.constant 1 : i32
        %scan3A_71 = scf.for %scan3A_76 = %scan3A_67 to %scan3A_69 step %scan3A_70 iter_args(%scan3A_77 = %broadcast_in_dim3A_66) -> (vector<16xi32>)  : i32 {
          %jit3A = arith.constant 16 : i32
          %div3A = arith.divsi %scan3A_76, %jit3A : i32
          %sign3A = arith.constant 0 : i32
          %sign3A_78 = arith.cmpi sgt, %scan3A_76, %sign3A : i32
          %sign3A_79 = arith.extui %sign3A_78 : i1 to i32
          %sign3A_80 = arith.constant 0 : i32
          %sign3A_81 = arith.cmpi slt, %scan3A_76, %sign3A_80 : i32
          %sign3A_82 = arith.extui %sign3A_81 : i1 to i32
          %sign3A_83 = arith.subi %sign3A_79, %sign3A_82 : i32
          %sign3A_84 = arith.constant 0 : i32
          %sign3A_85 = arith.cmpi sgt, %jit3A, %sign3A_84 : i32
          %sign3A_86 = arith.extui %sign3A_85 : i1 to i32
          %sign3A_87 = arith.constant 0 : i32
          %sign3A_88 = arith.cmpi slt, %jit3A, %sign3A_87 : i32
          %sign3A_89 = arith.extui %sign3A_88 : i1 to i32
          %sign3A_90 = arith.subi %sign3A_86, %sign3A_89 : i32
          %ne3A = arith.cmpi ne, %sign3A_83, %sign3A_90 : i32
          %rem3A = arith.remsi %scan3A_76, %jit3A : i32
          %ne3A_91 = arith.constant 0 : i32
          %ne3A_92 = arith.cmpi ne, %rem3A, %ne3A_91 : i32
          %and3A = arith.andi %ne3A, %ne3A_92 : i1
          %sub3A = arith.constant 1 : i32
          %sub3A_93 = arith.subi %div3A, %sub3A : i32
          %select_n3A = arith.select %and3A, %sub3A_93, %div3A : i32
          %mul3A_94 = arith.constant 16 : i32
          %mul3A_95 = arith.muli %select_n3A, %mul3A_94 : i32
          %sub3A_96 = arith.subi %scan3A_76, %mul3A_95 : i32
          %mul3A_97 = arith.constant 16 : i32
          %mul3A_98 = arith.muli %select_n3A, %mul3A_97 : i32
          %add3A_99 = vector.broadcast %sub3A_96 : i32 to vector<16xi32>
          %add3A_100 = arith.addi %iota3A, %add3A_99 : vector<16xi32>
          %and3A_101 = arith.constant 15 : i32
          %and3A_102 = vector.broadcast %and3A_101 : i32 to vector<16xi32>
          %and3A_103 = arith.andi %add3A_100, %and3A_102 : vector<16xi32>
          %add3A_104 = vector.broadcast %mul3A_98 : i32 to vector<16xi32>
          %add3A_105 = arith.addi %add3A_104, %and3A_103 : vector<16xi32>
          %gather3A_106 = tpu.vector_load_idx %arg12[%add3A_105] : memref<640xi32, #tpu.memory_space<vmem>>[vector<16xi32>], vector<16xi32>,
          %lt3A_107 = arith.cmpi slt, %gather3A_106, %gather3A : vector<16xi32>
          %jit3A_108 = arith.constant 1 : i32
          %jit3A_109 = arith.constant 0 : i32
          %broadcast_in_dim3A_110 = vector.broadcast %jit3A_108 : i32 to vector<16xi32>
          %broadcast_in_dim3A_111 = vector.broadcast %jit3A_109 : i32 to vector<16xi32>
          %select_n3A_112 = arith.select %lt3A_107, %broadcast_in_dim3A_110, %broadcast_in_dim3A_111 : vector<16xi1>, vector<16xi32>
          %add3A_113 = arith.addi %scan3A_77, %select_n3A_112 : vector<16xi32>
          scf.yield %add3A_113 : vector<16xi32>
        }
        %scan3A_72 = arith.constant 640 : i32
        %swap3A = arith.constant 0 : index
        %swap3A_73 = tpu.vector_load %arg13[%swap3A] {strides = array<i32>} : memref<16xi32, #tpu.memory_space<vmem>>, vector<16xi32>,
        tpu.vector_store %arg13[%swap3A], %scan3A_71 {strides = array<i32>} : memref<16xi32, #tpu.memory_space<vmem>>, vector<16xi32>,
        %mul3A_74 = arith.constant 16 : i32
        %mul3A_75 = arith.muli %add3A_49, %mul3A_74 : i32
        "tpu.region"() ({
          %run_scoped3A = tpu.sem_alloc : memref<!tpu.dma_semaphore, #tpu.memory_space<semaphore_mem>>
          %dma_start3A = tpu.memref_slice %arg8[%mul3A_75] : memref<640xi32, #tpu.memory_space<hbm>> -> memref<16xi32, #tpu.memory_space<hbm>>
          %dma_start3A_76 = tpu.memref_slice %arg8[%mul3A_75] : memref<640xi32, #tpu.memory_space<hbm>> -> memref<16xi32, #tpu.memory_space<hbm>>
          tpu.enqueue_dma source(%arg13 : memref<16xi32, #tpu.memory_space<vmem>>) target(%dma_start3A_76 : memref<16xi32, #tpu.memory_space<hbm>>) target_semaphore(%run_scoped3A : memref<!tpu.dma_semaphore, #tpu.memory_space<semaphore_mem>>)
          %dma_wait3A = tpu.memref_slice %arg8[%mul3A_75] : memref<640xi32, #tpu.memory_space<hbm>> -> memref<16xi32, #tpu.memory_space<hbm>>
          %dma_wait3A_77 = tpu.memref_slice %arg8[%mul3A_75] : memref<640xi32, #tpu.memory_space<hbm>> -> memref<16xi32, #tpu.memory_space<hbm>>
          tpu.wait_dma2 semaphore(%run_scoped3A : memref<!tpu.dma_semaphore, #tpu.memory_space<semaphore_mem>>) src(%arg13 : memref<16xi32, #tpu.memory_space<vmem>>) dst(%dma_wait3A_77 : memref<16xi32, #tpu.memory_space<hbm>>)
          tpu.yield
        }) : () -> ()
      } else {
      }
      %barrier3A_55 = arith.constant 0 : index
      tpu.barrier barrier_id(%barrier3A_55)
      %eq3A_56 = arith.constant 0 : i32
      %eq3A_57 = arith.cmpi eq, %arg1, %eq3A_56 : i32
      %convert_element_type3A_58 = arith.extui %eq3A_57 : i1 to i32
      %cond3A_59 = arith.constant 0 : i32
      %cond3A_60 = arith.cmpi ne, %convert_element_type3A_58, %cond3A_59 : i32
      scf.if %cond3A_60 {
        "tpu.region"() ({
          %run_scoped3A = tpu.sem_alloc : memref<!tpu.dma_semaphore, #tpu.memory_space<semaphore_mem>>
          tpu.enqueue_dma source(%arg8 : memref<640xi32, #tpu.memory_space<hbm>>) target(%arg14 : memref<640xi32, #tpu.memory_space<vmem>>) target_semaphore(%run_scoped3A : memref<!tpu.dma_semaphore, #tpu.memory_space<semaphore_mem>>)
          tpu.wait_dma2 semaphore(%run_scoped3A : memref<!tpu.dma_semaphore, #tpu.memory_space<semaphore_mem>>) src(%arg8 : memref<640xi32, #tpu.memory_space<hbm>>) dst(%arg14 : memref<640xi32, #tpu.memory_space<vmem>>)
          tpu.yield
        }) : () -> ()
        %scan3A_61 = arith.constant 0 : i32
        %scan3A_62 = arith.constant 0 : i32
        %scan3A_63 = arith.constant 40 : i32
        %scan3A_64 = arith.addi %scan3A_62, %scan3A_63 : i32
        %scan3A_65 = arith.constant 1 : i32
        %scan3A_66 = scf.for %scan3A_68 = %scan3A_62 to %scan3A_64 step %scan3A_65 iter_args(%scan3A_69 = %scan3A_61) -> (i32)  : i32 {
          %mul3A_70 = arith.constant 16 : i32
          %mul3A_71 = arith.muli %scan3A_68, %mul3A_70 : i32
          %add3A_72 = vector.broadcast %mul3A_71 : i32 to vector<16xi32>
          %add3A_73 = arith.addi %iota3A, %add3A_72 : vector<16xi32>
          %gather3A = tpu.vector_load_idx %arg12[%add3A_73] : memref<640xi32, #tpu.memory_space<vmem>>[vector<16xi32>], vector<16xi32>,
          %mul3A_74 = arith.constant 16 : i32
          %mul3A_75 = arith.muli %scan3A_68, %mul3A_74 : i32
          %add3A_76 = vector.broadcast %mul3A_75 : i32 to vector<16xi32>
          %add3A_77 = arith.addi %iota3A, %add3A_76 : vector<16xi32>
          %gather3A_78 = tpu.vector_load_idx %arg14[%add3A_77] : memref<640xi32, #tpu.memory_space<vmem>>[vector<16xi32>], vector<16xi32>,
          %shift_right_arithmetic3A = arith.constant 7 : i32
          %shift_right_arithmetic3A_79 = vector.broadcast %shift_right_arithmetic3A : i32 to vector<16xi32>
          %shift_right_arithmetic3A_80 = arith.shrsi %gather3A, %shift_right_arithmetic3A_79 : vector<16xi32>
          tpu.vector_store_idx %arg15[%gather3A_78], %shift_right_arithmetic3A_80 : memref<640xi32, #tpu.memory_space<vmem>>[vector<16xi32>], vector<16xi32>,
          %and3A = arith.constant 127 : i32
          %and3A_81 = vector.broadcast %and3A : i32 to vector<16xi32>
          %and3A_82 = arith.andi %gather3A, %and3A_81 : vector<16xi32>
          tpu.vector_store_idx %arg16[%gather3A_78], %and3A_82 : memref<640xi32, #tpu.memory_space<vmem>>[vector<16xi32>], vector<16xi32>,
          %scan3A_83 = arith.constant 0 : i32
          scf.yield %scan3A_83 : i32
        }
        %scan3A_67 = arith.constant 40 : i32
        "tpu.region"() ({
          %run_scoped3A = tpu.sem_alloc : memref<!tpu.dma_semaphore, #tpu.memory_space<semaphore_mem>>
          tpu.enqueue_dma source(%arg15 : memref<640xi32, #tpu.memory_space<vmem>>) target(%arg5 : memref<640xi32, #tpu.memory_space<hbm>>) target_semaphore(%run_scoped3A : memref<!tpu.dma_semaphore, #tpu.memory_space<semaphore_mem>>)
          tpu.wait_dma2 semaphore(%run_scoped3A : memref<!tpu.dma_semaphore, #tpu.memory_space<semaphore_mem>>) src(%arg15 : memref<640xi32, #tpu.memory_space<vmem>>) dst(%arg5 : memref<640xi32, #tpu.memory_space<hbm>>)
          tpu.yield
        }) : () -> ()
        "tpu.region"() ({
          %run_scoped3A = tpu.sem_alloc : memref<!tpu.dma_semaphore, #tpu.memory_space<semaphore_mem>>
          tpu.enqueue_dma source(%arg16 : memref<640xi32, #tpu.memory_space<vmem>>) target(%arg6 : memref<640xi32, #tpu.memory_space<hbm>>) target_semaphore(%run_scoped3A : memref<!tpu.dma_semaphore, #tpu.memory_space<semaphore_mem>>)
          tpu.wait_dma2 semaphore(%run_scoped3A : memref<!tpu.dma_semaphore, #tpu.memory_space<semaphore_mem>>) src(%arg16 : memref<640xi32, #tpu.memory_space<vmem>>) dst(%arg6 : memref<640xi32, #tpu.memory_space<hbm>>)
          tpu.yield
        }) : () -> ()
      } else {
      }
    } else {
    }
    return
  }
}

module attributes {stable_mosaic.version = 14 : i64} {
  func.func @_gsel_kernel(%arg0: i32, %arg1: memref<32768x128xf32, #tpu.memory_space<vmem>>, %arg2: memref<16x128xi32, #tpu.memory_space<vmem>>, %arg3: memref<4096x128xf32, #tpu.memory_space<vmem>>, %arg4: memref<4096x128xi32, #tpu.memory_space<vmem>>, %arg5: memref<1x128xf32, #tpu.memory_space<vmem>>, %arg6: memref<1x128xi32, #tpu.memory_space<vmem>>) attributes {dimension_semantics = [#tpu.dimension_semantics<arbitrary>], iteration_bounds = array<i64: 10>, scalar_prefetch = 0 : i64, scratch_operands = 4 : i64, tpu.core_type = #tpu.core_type<tc>, window_params = [{pipeline_mode = #tpu.pipeline_mode<synchronous>, transform_indices = @transform_0, window_bounds = array<i64: 32768, 128>}, {pipeline_mode = #tpu.pipeline_mode<synchronous>, transform_indices = @transform_1, window_bounds = array<i64: 16, 128>}]} {
    %eq3A = arith.constant 0 : i32
    %eq3A_0 = arith.cmpi eq, %arg0, %eq3A : i32
    %convert_element_type3A = arith.extui %eq3A_0 : i1 to i32
    %cond3A = arith.constant 0 : i32
    %cond3A_1 = arith.cmpi ne, %convert_element_type3A, %cond3A : i32
    scf.if %cond3A_1 {
      %broadcast_in_dim3A_23 = arith.constant 0x7F800000 : f32
      %broadcast_in_dim3A_24 = vector.broadcast %broadcast_in_dim3A_23 : f32 to vector<1x128xf32>
      %swap3A_25 = arith.constant 0 : index
      %swap3A_26 = arith.constant 0 : index
      %swap3A_27 = vector.load %arg5[%swap3A_25, %swap3A_26] : memref<1x128xf32, #tpu.memory_space<vmem>>, vector<1x128xf32>
      tpu.vector_store %arg5[%swap3A_25, %swap3A_26], %broadcast_in_dim3A_24 {strides = array<i32>} : memref<1x128xf32, #tpu.memory_space<vmem>>, vector<1x128xf32>,
      %broadcast_in_dim3A_28 = arith.constant -1 : i32
      %broadcast_in_dim3A_29 = vector.broadcast %broadcast_in_dim3A_28 : i32 to vector<1x128xi32>
      %swap3A_30 = arith.constant 0 : index
      %swap3A_31 = arith.constant 0 : index
      %swap3A_32 = vector.load %arg6[%swap3A_30, %swap3A_31] : memref<1x128xi32, #tpu.memory_space<vmem>>, vector<1x128xi32>
      tpu.vector_store %arg6[%swap3A_30, %swap3A_31], %broadcast_in_dim3A_29 {strides = array<i32>} : memref<1x128xi32, #tpu.memory_space<vmem>>, vector<1x128xi32>,
      %scan3A_33 = arith.constant 0 : i32
      %scan3A_34 = arith.constant 16 : i32
      %scan3A_35 = arith.addi %scan3A_33, %scan3A_34 : i32
      %scan3A_36 = arith.constant 1 : i32
      scf.for %scan3A_38 = %scan3A_33 to %scan3A_35 step %scan3A_36  : i32 {
        %mul3A = arith.constant 256 : i32
        %mul3A_39 = arith.muli %scan3A_38, %mul3A : i32
        %iota3A = tpu.iota {dimensions = array<i32: 0>} : vector<256x128xi32>
        %add3A = vector.broadcast %mul3A_39 : i32 to vector<256x128xi32>
        %add3A_40 = arith.addi %iota3A, %add3A : vector<256x128xi32>
        %get3A_41 = arith.index_cast %mul3A_39 : i32 to index
        %get3A_42 = arith.constant 0 : index
        %get3A_43 = vector.load %arg1[%get3A_41, %get3A_42] : memref<32768x128xf32, #tpu.memory_space<vmem>>, vector<256x128xf32>
        %add3A_44 = arith.constant 4096 : i32
        %add3A_45 = arith.addi %mul3A_39, %add3A_44 : i32
        %get3A_46 = arith.index_cast %add3A_45 : i32 to index
        %get3A_47 = arith.constant 0 : index
        %get3A_48 = vector.load %arg1[%get3A_46, %get3A_47] : memref<32768x128xf32, #tpu.memory_space<vmem>>, vector<256x128xf32>
        %gt3A = arith.cmpf ogt, %get3A_48, %get3A_43 : vector<256x128xf32>
        %add3A_49 = arith.constant 4096 : i32
        %add3A_50 = vector.broadcast %add3A_49 : i32 to vector<256x128xi32>
        %add3A_51 = arith.addi %add3A_40, %add3A_50 : vector<256x128xi32>
        %select_n3A = arith.select %gt3A, %add3A_51, %add3A_40 : vector<256x128xi1>, vector<256x128xi32>
        %select_n3A_52 = arith.select %gt3A, %get3A_48, %get3A_43 : vector<256x128xi1>, vector<256x128xf32>
        %add3A_53 = arith.constant 8192 : i32
        %add3A_54 = arith.addi %mul3A_39, %add3A_53 : i32
        %get3A_55 = arith.index_cast %add3A_54 : i32 to index
        %get3A_56 = arith.constant 0 : index
        %get3A_57 = vector.load %arg1[%get3A_55, %get3A_56] : memref<32768x128xf32, #tpu.memory_space<vmem>>, vector<256x128xf32>
        %gt3A_58 = arith.cmpf ogt, %get3A_57, %select_n3A_52 : vector<256x128xf32>
        %add3A_59 = arith.constant 8192 : i32
        %add3A_60 = vector.broadcast %add3A_59 : i32 to vector<256x128xi32>
        %add3A_61 = arith.addi %add3A_40, %add3A_60 : vector<256x128xi32>
        %select_n3A_62 = arith.select %gt3A_58, %add3A_61, %select_n3A : vector<256x128xi1>, vector<256x128xi32>
        %select_n3A_63 = arith.select %gt3A_58, %get3A_57, %select_n3A_52 : vector<256x128xi1>, vector<256x128xf32>
        %add3A_64 = arith.constant 12288 : i32
        %add3A_65 = arith.addi %mul3A_39, %add3A_64 : i32
        %get3A_66 = arith.index_cast %add3A_65 : i32 to index
        %get3A_67 = arith.constant 0 : index
        %get3A_68 = vector.load %arg1[%get3A_66, %get3A_67] : memref<32768x128xf32, #tpu.memory_space<vmem>>, vector<256x128xf32>
        %gt3A_69 = arith.cmpf ogt, %get3A_68, %select_n3A_63 : vector<256x128xf32>
        %add3A_70 = arith.constant 12288 : i32
        %add3A_71 = vector.broadcast %add3A_70 : i32 to vector<256x128xi32>
        %add3A_72 = arith.addi %add3A_40, %add3A_71 : vector<256x128xi32>
        %select_n3A_73 = arith.select %gt3A_69, %add3A_72, %select_n3A_62 : vector<256x128xi1>, vector<256x128xi32>
        %select_n3A_74 = arith.select %gt3A_69, %get3A_68, %select_n3A_63 : vector<256x128xi1>, vector<256x128xf32>
        %add3A_75 = arith.constant 16384 : i32
        %add3A_76 = arith.addi %mul3A_39, %add3A_75 : i32
        %get3A_77 = arith.index_cast %add3A_76 : i32 to index
        %get3A_78 = arith.constant 0 : index
        %get3A_79 = vector.load %arg1[%get3A_77, %get3A_78] : memref<32768x128xf32, #tpu.memory_space<vmem>>, vector<256x128xf32>
        %gt3A_80 = arith.cmpf ogt, %get3A_79, %select_n3A_74 : vector<256x128xf32>
        %add3A_81 = arith.constant 16384 : i32
        %add3A_82 = vector.broadcast %add3A_81 : i32 to vector<256x128xi32>
        %add3A_83 = arith.addi %add3A_40, %add3A_82 : vector<256x128xi32>
        %select_n3A_84 = arith.select %gt3A_80, %add3A_83, %select_n3A_73 : vector<256x128xi1>, vector<256x128xi32>
        %select_n3A_85 = arith.select %gt3A_80, %get3A_79, %select_n3A_74 : vector<256x128xi1>, vector<256x128xf32>
        %add3A_86 = arith.constant 20480 : i32
        %add3A_87 = arith.addi %mul3A_39, %add3A_86 : i32
        %get3A_88 = arith.index_cast %add3A_87 : i32 to index
        %get3A_89 = arith.constant 0 : index
        %get3A_90 = vector.load %arg1[%get3A_88, %get3A_89] : memref<32768x128xf32, #tpu.memory_space<vmem>>, vector<256x128xf32>
        %gt3A_91 = arith.cmpf ogt, %get3A_90, %select_n3A_85 : vector<256x128xf32>
        %add3A_92 = arith.constant 20480 : i32
        %add3A_93 = vector.broadcast %add3A_92 : i32 to vector<256x128xi32>
        %add3A_94 = arith.addi %add3A_40, %add3A_93 : vector<256x128xi32>
        %select_n3A_95 = arith.select %gt3A_91, %add3A_94, %select_n3A_84 : vector<256x128xi1>, vector<256x128xi32>
        %select_n3A_96 = arith.select %gt3A_91, %get3A_90, %select_n3A_85 : vector<256x128xi1>, vector<256x128xf32>
        %add3A_97 = arith.constant 24576 : i32
        %add3A_98 = arith.addi %mul3A_39, %add3A_97 : i32
        %get3A_99 = arith.index_cast %add3A_98 : i32 to index
        %get3A_100 = arith.constant 0 : index
        %get3A_101 = vector.load %arg1[%get3A_99, %get3A_100] : memref<32768x128xf32, #tpu.memory_space<vmem>>, vector<256x128xf32>
        %gt3A_102 = arith.cmpf ogt, %get3A_101, %select_n3A_96 : vector<256x128xf32>
        %add3A_103 = arith.constant 24576 : i32
        %add3A_104 = vector.broadcast %add3A_103 : i32 to vector<256x128xi32>
        %add3A_105 = arith.addi %add3A_40, %add3A_104 : vector<256x128xi32>
        %select_n3A_106 = arith.select %gt3A_102, %add3A_105, %select_n3A_95 : vector<256x128xi1>, vector<256x128xi32>
        %select_n3A_107 = arith.select %gt3A_102, %get3A_101, %select_n3A_96 : vector<256x128xi1>, vector<256x128xf32>
        %add3A_108 = arith.constant 28672 : i32
        %add3A_109 = arith.addi %mul3A_39, %add3A_108 : i32
        %get3A_110 = arith.index_cast %add3A_109 : i32 to index
        %get3A_111 = arith.constant 0 : index
        %get3A_112 = vector.load %arg1[%get3A_110, %get3A_111] : memref<32768x128xf32, #tpu.memory_space<vmem>>, vector<256x128xf32>
        %gt3A_113 = arith.cmpf ogt, %get3A_112, %select_n3A_107 : vector<256x128xf32>
        %add3A_114 = arith.constant 28672 : i32
        %add3A_115 = vector.broadcast %add3A_114 : i32 to vector<256x128xi32>
        %add3A_116 = arith.addi %add3A_40, %add3A_115 : vector<256x128xi32>
        %select_n3A_117 = arith.select %gt3A_113, %add3A_116, %select_n3A_106 : vector<256x128xi1>, vector<256x128xi32>
        %select_n3A_118 = arith.select %gt3A_113, %get3A_112, %select_n3A_107 : vector<256x128xi1>, vector<256x128xf32>
        %swap3A_119 = arith.index_cast %mul3A_39 : i32 to index
        %swap3A_120 = arith.constant 0 : index
        %swap3A_121 = vector.load %arg3[%swap3A_119, %swap3A_120] : memref<4096x128xf32, #tpu.memory_space<vmem>>, vector<256x128xf32>
        tpu.vector_store %arg3[%swap3A_119, %swap3A_120], %select_n3A_118 {strides = array<i32>} : memref<4096x128xf32, #tpu.memory_space<vmem>>, vector<256x128xf32>,
        %swap3A_122 = arith.index_cast %mul3A_39 : i32 to index
        %swap3A_123 = arith.constant 0 : index
        %swap3A_124 = vector.load %arg4[%swap3A_122, %swap3A_123] : memref<4096x128xi32, #tpu.memory_space<vmem>>, vector<256x128xi32>
        tpu.vector_store %arg4[%swap3A_122, %swap3A_123], %select_n3A_117 {strides = array<i32>} : memref<4096x128xi32, #tpu.memory_space<vmem>>, vector<256x128xi32>,
      }
      %scan3A_37 = arith.constant 16 : i32
    } else {
    }
    %get3A = arith.constant 0 : index
    %get3A_2 = arith.constant 0 : index
    %get3A_3 = vector.load %arg5[%get3A, %get3A_2] : memref<1x128xf32, #tpu.memory_space<vmem>>, vector<1x128xf32>
    %get3A_4 = arith.constant 0 : index
    %get3A_5 = arith.constant 0 : index
    %get3A_6 = vector.load %arg6[%get3A_4, %get3A_5] : memref<1x128xi32, #tpu.memory_space<vmem>>, vector<1x128xi32>
    %broadcast_in_dim3A = arith.constant 0xFF800000 : f32
    %broadcast_in_dim3A_7 = vector.broadcast %broadcast_in_dim3A : f32 to vector<1x128xf32>
    %broadcast_in_dim3A_8 = arith.constant 1073741824 : i32
    %broadcast_in_dim3A_9 = vector.broadcast %broadcast_in_dim3A_8 : i32 to vector<1x128xi32>
    %scan3A = arith.constant 0 : i32
    %scan3A_10 = arith.constant 16 : i32
    %scan3A_11 = arith.addi %scan3A, %scan3A_10 : i32
    %scan3A_12 = arith.constant 1 : i32
    %scan3A_13:2 = scf.for %scan3A_23 = %scan3A to %scan3A_11 step %scan3A_12 iter_args(%scan3A_24 = %broadcast_in_dim3A_7, %scan3A_25 = %broadcast_in_dim3A_9) -> (vector<1x128xf32>, vector<1x128xi32>)  : i32 {
      %mul3A = arith.constant 256 : i32
      %mul3A_26 = arith.muli %scan3A_23, %mul3A : i32
      %get3A_27 = arith.index_cast %mul3A_26 : i32 to index
      %get3A_28 = arith.constant 0 : index
      %get3A_29 = vector.load %arg3[%get3A_27, %get3A_28] : memref<4096x128xf32, #tpu.memory_space<vmem>>, vector<256x128xf32>
      %mul3A_30 = arith.constant 256 : i32
      %mul3A_31 = arith.muli %scan3A_23, %mul3A_30 : i32
      %get3A_32 = arith.index_cast %mul3A_31 : i32 to index
      %get3A_33 = arith.constant 0 : index
      %get3A_34 = vector.load %arg4[%get3A_32, %get3A_33] : memref<4096x128xi32, #tpu.memory_space<vmem>>, vector<256x128xi32>
      %lt3A = vector.broadcast %get3A_3 : vector<1x128xf32> to vector<256x128xf32>
      %lt3A_35 = arith.cmpf olt, %get3A_29, %lt3A : vector<256x128xf32>
      %eq3A_36 = vector.broadcast %get3A_3 : vector<1x128xf32> to vector<256x128xf32>
      %eq3A_37 = arith.cmpf oeq, %get3A_29, %eq3A_36 : vector<256x128xf32>
      %gt3A = vector.broadcast %get3A_6 : vector<1x128xi32> to vector<256x128xi32>
      %gt3A_38 = arith.cmpi sgt, %get3A_34, %gt3A : vector<256x128xi32>
      %and3A = arith.andi %eq3A_37, %gt3A_38 : vector<256x128xi1>
      %or3A = arith.ori %lt3A_35, %and3A : vector<256x128xi1>
      %jit3A = arith.constant 0xFF800000 : f32
      %broadcast_in_dim3A_39 = vector.broadcast %jit3A : f32 to vector<256x128xf32>
      %select_n3A = arith.select %or3A, %get3A_29, %broadcast_in_dim3A_39 : vector<256x128xi1>, vector<256x128xf32>
      %reduce_max3A = arith.constant dense<0xFF800000> : vector<128xf32>
      %reduce_max3A_40 = vector.multi_reduction <maximumf>, %select_n3A, %reduce_max3A [0] : vector<256x128xf32> to vector<128xf32>
      %broadcast_in_dim3A_41 = vector.shape_cast %reduce_max3A_40 : vector<128xf32> to vector<1x128xf32>
      %eq3A_42 = vector.broadcast %broadcast_in_dim3A_41 : vector<1x128xf32> to vector<256x128xf32>
      %eq3A_43 = arith.cmpf oeq, %select_n3A, %eq3A_42 : vector<256x128xf32>
      %jit3A_44 = arith.constant 1073741824 : i32
      %broadcast_in_dim3A_45 = vector.broadcast %jit3A_44 : i32 to vector<256x128xi32>
      %select_n3A_46 = arith.select %eq3A_43, %get3A_34, %broadcast_in_dim3A_45 : vector<256x128xi1>, vector<256x128xi32>
      %reduce_min3A = arith.constant dense<2147483647> : vector<128xi32>
      %reduce_min3A_47 = vector.multi_reduction <minsi>, %select_n3A_46, %reduce_min3A [0] : vector<256x128xi32> to vector<128xi32>
      %broadcast_in_dim3A_48 = vector.shape_cast %reduce_min3A_47 : vector<128xi32> to vector<1x128xi32>
      %gt3A_49 = arith.cmpf ogt, %broadcast_in_dim3A_41, %scan3A_24 : vector<1x128xf32>
      %eq3A_50 = arith.cmpf oeq, %broadcast_in_dim3A_41, %scan3A_24 : vector<1x128xf32>
      %lt3A_51 = arith.cmpi slt, %broadcast_in_dim3A_48, %scan3A_25 : vector<1x128xi32>
      %and3A_52 = arith.andi %eq3A_50, %lt3A_51 : vector<1x128xi1>
      %or3A_53 = arith.ori %gt3A_49, %and3A_52 : vector<1x128xi1>
      %select_n3A_54 = arith.select %or3A_53, %broadcast_in_dim3A_41, %scan3A_24 : vector<1x128xi1>, vector<1x128xf32>
      %select_n3A_55 = arith.select %or3A_53, %broadcast_in_dim3A_48, %scan3A_25 : vector<1x128xi1>, vector<1x128xi32>
      scf.yield %select_n3A_54, %select_n3A_55 : vector<1x128xf32>, vector<1x128xi32>
    }
    %scan3A_14 = arith.constant 16 : i32
    %swap3A = arith.index_cast %arg0 : i32 to index
    %swap3A_15 = arith.constant 0 : index
    %swap3A_16 = vector.load %arg2[%swap3A, %swap3A_15] : memref<16x128xi32, #tpu.memory_space<vmem>>, vector<1x128xi32>
    tpu.vector_store %arg2[%swap3A, %swap3A_15], %scan3A_13#1 {strides = array<i32>} : memref<16x128xi32, #tpu.memory_space<vmem>>, vector<1x128xi32>,
    %swap3A_17 = arith.constant 0 : index
    %swap3A_18 = arith.constant 0 : index
    %swap3A_19 = vector.load %arg5[%swap3A_17, %swap3A_18] : memref<1x128xf32, #tpu.memory_space<vmem>>, vector<1x128xf32>
    tpu.vector_store %arg5[%swap3A_17, %swap3A_18], %scan3A_13#0 {strides = array<i32>} : memref<1x128xf32, #tpu.memory_space<vmem>>, vector<1x128xf32>,
    %swap3A_20 = arith.constant 0 : index
    %swap3A_21 = arith.constant 0 : index
    %swap3A_22 = vector.load %arg6[%swap3A_20, %swap3A_21] : memref<1x128xi32, #tpu.memory_space<vmem>>, vector<1x128xi32>
    tpu.vector_store %arg6[%swap3A_20, %swap3A_21], %scan3A_13#1 {strides = array<i32>} : memref<1x128xi32, #tpu.memory_space<vmem>>, vector<1x128xi32>,
    return
  }
  func.func @transform_0(%arg0: i32) -> (i32, i32) {
    %c0_i32 = arith.constant 0 : i32
    %c0_i32_0 = arith.constant 0 : i32
    %c0_i32_1 = arith.constant 0 : i32
    return %c0_i32, %c0_i32_0 : i32, i32
  }
  func.func @transform_1(%arg0: i32) -> (i32, i32) {
    %c0_i32 = arith.constant 0 : i32
    %c0_i32_0 = arith.constant 0 : i32
    %c0_i32_1 = arith.constant 0 : i32
    return %c0_i32, %c0_i32_0 : i32, i32
  }
}

</mosaic_0001>

<sc_bundles>
// kernel: kernel.4.cloned.1.call-start
scs
__scs_entry_jumppad:
0x0: {  	(pc) =	sbr.rel $0x88, $3  }
0x1: {  	(tag) =	ssettag $0x0;
	lr =	simm.s32 $0x1  }
0x2: {  	[smem:$0x3FA0] =	sst lr;
	_ =	strace $0xD0000000  }
0x3: {  	_ = 	snop  }
0x4: {  	_ = 	snop  }
0x5: {  	_ = 	snop  }
0x6: {  	_ = 	snop  }
0x7: {  	_ = 	snop  }
__scs_overlays_trampoline_lowered:
0x8: {  	[smem:$0x3FAF] =	sst s0  }
0x9: {  	[smem:$0x3FB0] =	sst s1  }
0xa: {  	[smem:$0x3FB1] =	sst s2  }
0xb: {  	[smem:$0x3FB2] =	sst s3  }
0xc: {  	[smem:$0x3FB3] =	sst s4  }
0xd: {  	[smem:$0x3FB4] =	sst s5  }
0xe: {  	[smem:$0x3FB5] =	sst s6  }
0xf: {  	[smem:$0x3FB6] =	sst s7  }
0x10: {  	[smem:$0x3FB7] =	sst s8  }
0x11: {  	[smem:$0x3FB8] =	sst s9;
	s0 =	simm.s32 @!p0 $0x0  }
0x12: {  	s1 =	sld [smem:$0x3F9E];
	s0 =	simm.s32 @p0 $0x1  }
0x13: {  	[smem:$0x3FB9] =	sst s0;
	s0 =	simm.s32 @!p1 $0x0  }
0x14: {  	s2 =	sld [smem:$0x3F9D];
	s0 =	simm.s32 @p1 $0x1  }
0x15: {  	[smem:$0x3FBA] =	sst s0;
	s0 =	simm.s32 @!p2 $0x0  }
0x16: {  	s3 =	sld [smem:$0x3FDB];
	s0 =	simm.s32 @p2 $0x1  }
0x17: {  	s4 =	simm.s32 $0x1BF5;
	[smem:$0x3FBC] =	sst s0  }
0x18: {  	s0 =	sld [smem:$0x3F9F];
	_ =	swait.ge [sflag:s4], $0x0  }
0x19: {  	s7 =	sld [smem:$0x3FA0]  }
0x1a: {  	s8 =	sadd.s32 $0xFFFFE003, lr  }
0x1b: {  	s9 =	sadd.s32 $0xFFFFFEF7, lr;
	s5 =	simm.s32 $0xFFFFFFFF;
	p2 =	slt.u32 s8, $0xFFFFF086  }
0x1c: {  	p1 =	slt.u32 s9, $0xF7A;
	s5 =	simm.s32 @!p2 $0x0  }
0x1d: {  	s5 =	simm.s32 @p1 $0x1;
	p0 =	seq.s32 s7, s2  }
0x1e: {  	s7 =	smul.u32 @!p0 $0xF7A, s2;
	p2 =	seq.s32 @!p0 s5, $0x0  }
0x1f: {  	s9 =	smul.u32 $0xF7A, s1;
	s8 =	simm.s32 @!p0 $0x1BF5;
	p2 =	por !p2, p0  }
0x20: {  	[sflag:s8] =	ssyncset.s32 @!p0 $0xFFFFF086;
	s6 =	sadd.s32 @!p0 s3, s7;
	s7 =	simm.s32 @!p0 $0x108  }
0x21: {  	s3 =	sadd.s32 s3, s9;
	s6 =	sadd.s32 @!p0 $0x88, s6;
	s7 =	simm.s32 @p2 $0x1082  }
0x22: {  	[simem:s7], [sflag:s8] =	dma.local @!p0 [hbm:s6], $0xF7A  }
0x23: {  	s9 =	sor.u32 $0xD0000000, s2;
	s6 =	simm.s32 $0x108;
	_ =	swait.ge @!p0 [sflag:s8], $0x0  }
0x24: {  	s3 =	sadd.s32 $0x88, s3;
	s6 =	simm.s32 @!p1 $0x1082;
	[sflag:s4] =	ssyncset.s32 $0xFFFFF086  }
0x25: {  	[simem:s6], [sflag:s4] =	dma.local [hbm:s3], $0xF7A  }
0x26: {  	[smem:$0x3FA0] =	sst s1;
	(tag) =	ssettag s2;
	_ =	strace s9  }
0x27: {  	s1 =	sld [smem:$0x3FB0]  }
0x28: {  	s2 =	sld [smem:$0x3FB1]  }
0x29: {  	s4 =	sld [smem:$0x3FB3]  }
0x2a: {  	p0 =	seq.s32 s5, $0x0;
	s5 =	sld [smem:$0x3FB4]  }
0x2b: {  	s6 =	sld [smem:$0x3FB5]  }
0x2c: {  	s7 =	sld [smem:$0x3FB6]  }
0x2d: {  	s3 =	simm.s32 $0x108;
	s8 =	sld [smem:$0x3FB7]  }
0x2e: {  	s3 =	simm.s32 @!p0 $0x1082;
	s9 =	sld [smem:$0x3FB8]  }
0x2f: {  	lr =	sadd.s32 s0, s3;
	s0 =	sld [smem:$0x3FAF]  }
0x30: {  	s3 =	sld [smem:$0x3FB2]  }
0x31: {  	[smem:$0x3FBB] =	sst s10  }
0x32: {  	s10 =	sld [smem:$0x3FB9];
	_ =	sdelay $0x3  }
0x33: {  	p0 =	seq.s32 s10, $0x1;
	s10 =	sld [smem:$0x3FBB];
	_ =	sdelay $0x3  }
0x34: {  	[smem:$0x3FBB] =	sst s10  }
0x35: {  	s10 =	sld [smem:$0x3FBA];
	_ =	sdelay $0x3  }
0x36: {  	p1 =	seq.s32 s10, $0x1;
	s10 =	sld [smem:$0x3FBB];
	_ =	sdelay $0x3  }
0x37: {  	[smem:$0x3FBB] =	sst s10  }
0x38: {  	s10 =	sld [smem:$0x3FBC]  }
0x39: {  	_ = 	snop;
	(pc) =	sbr.ind lr, $3  }
0x3a: {  	_ = 	snop  }
0x3b: {  	_ = 	snop  }
0x3c: {  	p2 =	seq.s32 s10, $0x1;
	s10 =	sld [smem:$0x3FBB]  }
0x3d: {  	_ =	shalt  }
0x3e: {  	_ =	shalt  }
0x3f: {  	_ =	shalt  }
0x40: {  	_ =	shalt  }
0x41: {  	_ =	shalt  }
0x42: {  	_ =	shalt  }
0x43: {  	_ =	shalt  }
0x44: {  	_ =	shalt  }
0x45: {  	_ =	shalt  }
0x46: {  	_ =	shalt  }
0x47: {  	_ =	shalt  }
0x48: {  	_ =	shalt  }
0x49: {  	_ =	shalt  }
0x4a: {  	_ =	shalt  }
0x4b: {  	_ =	shalt  }
0x4c: {  	_ =	shalt  }
0x4d: {  	_ =	shalt  }
0x4e: {  	_ =	shalt  }
0x4f: {  	_ =	shalt  }
0x50: {  	_ =	shalt  }
0x51: {  	_ =	shalt  }
0x52: {  	_ =	shalt  }
0x53: {  	_ =	shalt  }
0x54: {  	_ =	shalt  }
0x55: {  	_ =	shalt  }
0x56: {  	_ =	shalt  }
0x57: {  	_ =	shalt  }
0x58: {  	_ =	shalt  }
0x59: {  	_ =	shalt  }
0x5a: {  	_ =	shalt  }
0x5b: {  	_ =	shalt  }
0x5c: {  	_ =	shalt  }
0x5d: {  	_ =	shalt  }
0x5e: {  	_ =	shalt  }
0x5f: {  	_ =	shalt  }
0x60: {  	_ =	shalt  }
0x61: {  	_ =	shalt  }
0x62: {  	_ =	shalt  }
0x63: {  	_ =	shalt  }
0x64: {  	_ =	shalt  }
0x65: {  	_ =	shalt  }
0x66: {  	_ =	shalt  }
0x67: {  	_ =	shalt  }
0x68: {  	_ =	shalt  }
0x69: {  	_ =	shalt  }
0x6a: {  	_ =	shalt  }
0x6b: {  	_ =	shalt  }
0x6c: {  	_ =	shalt  }
0x6d: {  	_ =	shalt  }
0x6e: {  	_ =	shalt  }
0x6f: {  	_ =	shalt  }
0x70: {  	_ =	shalt  }
0x71: {  	_ =	shalt  }
0x72: {  	_ =	shalt  }
0x73: {  	_ =	shalt  }
0x74: {  	_ =	shalt  }
0x75: {  	_ =	shalt  }
0x76: {  	_ =	shalt  }
0x77: {  	_ =	shalt  }
0x78: {  	_ =	shalt  }
0x79: {  	_ =	shalt  }
0x7a: {  	_ =	shalt  }
0x7b: {  	_ =	shalt  }
0x7c: {  	_ =	shalt  }
0x7d: {  	_ =	shalt  }
0x7e: {  	_ =	shalt  }
0x7f: {  	_ =	shalt  }
0x80: {  	_ =	shalt  }
0x81: {  	_ =	shalt  }
0x82: {  	_ =	shalt  }
0x83: {  	_ =	shalt  }
0x84: {  	_ =	shalt  }
0x85: {  	_ =	shalt  }
0x86: {  	_ =	shalt  }
0x87: {  	_ =	shalt  }
.Lfunc_end0:
.L_simem_size_0:
called_computation_lowered:
.L_overlay_start_0:
0x88: {  	s2 =	sld [smem:$0x3FD9]  }
0x89: {  	s3 =	sld [smem:$0x3FFE];
	_ =	sdelay $0x1  }
0x8a: {  	s1 =	srdreg.scid  }
0x8b: {  	s0 =	sand.u32 $0x1, s1  }
0x8c: {  	s14 =	sshll.u32 s0, $0xA;
	s2 =	sadd.s32 s3, s2  }
0x8d: {  	s2 =	sadd.s32 s2, s14  }
0x8e: {  	[smem:$0x3FC7] =	sst s2  }
0x8f: {  	_ = 	snop  }
0x90: {  	s2 =	sld [smem:$0x3FD0];
	_ =	sdelay $0x2  }
0x91: {  	s4 =	simm.s32 $0xA;
	s5 =	simm.s32 $0x10;
	s15 =	sld [smem:$0x3FC9]  }
0x92: {  	[smem:s5], [sflag:s4] =	dma.local [hbm:s2], $0x1  }
0x93: {  	_ =	swait.eq [sflag:s4], $0x1  }
0x94: {  	s16 =	sld [smem:$0x10];
	[sflag:s4] =	ssyncset.done $0x0  }
0x95: {  	s17 =	sld [smem:$0x11];
	[sflag:s4] =	ssyncadd.s32 $0xFFFFFFFF  }
0x96: {  	s18 =	sld [smem:$0x12];
	(tm) =	ssettm $0x1  }
0x97: {  	s6 =	sld [smem:$0x3FFB];
	_ =	sdelay $0x3  }
0x98: {  	_ =	strace s6  }
0x99: {  	s6 =	sld [smem:$0x3FFC];
	_ =	sdelay $0x3  }
0x9a: {  	_ =	strace s6  }
0x9b: {  	s6 =	sld [smem:$0x3FFD];
	_ =	sdelay $0x3  }
0x9c: {  	_ =	strace s6  }
0x9d: {  	_ =	strace $0x8FFFFFFF  }
0x9e: {  	s19 =	sld [smem:$0x3FDB];
	_ =	sdelay $0x1  }
0x9f: {  	s7 =	simm.s32 $_scs_section_size  }
0xa0: {  	s8 =	simm.s32 $_size__tile_overlayer_lowered;
	s9 =	simm.s32 $_tile_overlayer_lowered  }
0xa1: {  	s22 =	simm.s32 $0x1BFF;
	s21 =	sshll.u32 s9, $0x1;
	s6 =	sadd.s32 s7, s19  }
0xa2: {  	s10 =	simm.s32 $0x0;
	s20 =	sshll.u32 s8, $0x1;
	s8 =	sadd.s32 s21, s6  }
0xa3: {  	[timem:s10], [sflag:s22] =	dma.local [hbm:s8], s20  }
0xa4: {  	_ =	swait.ge [sflag:s22], s20  }
0xa5: {  	s7 =	ssub.s32 $0x0, s20;
	[sflag:s22] =	ssyncset.done $0x0  }
0xa6: {  	[sflag:s22] =	ssyncadd.s32 s7;
	_ =	sdelay $0x1  }
0xa7: {  	s23 =	simm.s32 $0x1B8B  }
0xa8: {  	_ =	swait.ge [sflag:s23], $0x1  }
0xa9: {  	[sflag:s23] =	ssyncset.done $0x0  }
0xaa: {  	s25 =	simm.s32 $0x1B8E;
	s24 =	sld [smem:$0x3FFE];
	[sflag:s23] =	ssyncadd.s32 $0xFFFFFFFF  }
0xab: {  	s26 =	simm.s32 $execute0_lowered;
	[smem:$0x3FD2] =	sst s25  }
0xac: {  	s8 =	sshll.u32 s26, $0x1;
	_ =	strace $0x80000046;
	[dreg:$0x1] =	wrdreg $0xFFFFFFFF  }
0xad: {  	s28 =	simm.s32 $_size_execute0_lowered;
	s6 =	sadd.s32 s6, s8;
	[dreg:$0x0] =	wrdreg $0x0  }
0xae: {  	s8 =	sshll.u32 s28, $0x1;
	[dreg:$0x2] =	wrdreg s6  }
0xaf: {  	[dreg:$0x3] =	wrdreg s8  }
0xb0: {  	[dreg:$0x4] =	wrdreg $0xC0  }
0xb1: {  	_ =	task [dreg:s10], $0x5FFFF  }
0xb2: {  	[dreg:$0x1] =	wrdreg $0xFFFFFFFF  }
0xb3: {  	[dreg:$0x0] =	wrdreg $0x60  }
0xb4: {  	[dreg:$0x2] =	wrdreg s15  }
0xb5: {  	[dreg:$0x3] =	wrdreg s24  }
0xb6: {  	[dreg:$0x4] =	wrdreg s16  }
0xb7: {  	[dreg:$0x5] =	wrdreg s17  }
0xb8: {  	[dreg:$0x6] =	wrdreg s18  }
0xb9: {  	[dreg:$0x7] =	wrdreg $0x9  }
0xba: {  	_ =	task.clear_ibuf [dreg:s10], $0x8FFFF;
	_ =	strace $0x90000046  }
0xbb: {  	s29 =	simm.s32 $0x9;
	_ =	strace $0x80000048  }
0xbc: {  	_ =	swait.ge [sflag:s29], $0x1  }
0xbd: {  	[sflag:s29] =	ssyncadd.s32 $0xFFFFFFFF  }
0xbe: {  	_ =	strace $0x90000048  }
0xbf: {  	_ =	sfence  }
0xc0: {  	s30 =	sld [smem:$0x0];
	_ =	sdelay $0x2  }
0xc1: {  	s31 =	sshll.u32 s1, $0xD;
	s1 =	sshrl.u32 s1, $0x2  }
0xc2: {  	s3 =	sand.u32 $0x4000, s31;
	s1 =	sadd.s32 s1, s30  }
0xc3: {  	s0 =	sor.u32 s3, s0;
	s1 =	sshll.u32 s1, $0x11  }
0xc4: {  	s0 =	sor.u32 s1, s0  }
0xc5: {  	s0 =	sadd.s32 $0x8F2B, s0  }
0xc6: {  	[sflag:s0] =	ssyncadd.remote.s32 $0x1  }
0xc7: {  	_ =	sfence.sel $0xFFFF  }
0xc8: {  	[dreg:$0x0] =	wrdreg $0xFFFFFFFF;
	(pc) =	sbr.abs _section_cstart, $3  }
0xc9: {  	[dreg:$0x1] =	wrdreg $0xFFFFFFFF  }
0xca: {  	_ =	task.clear_ibuf [dreg:s10], $0x2FFFF;
	_ =	strace $0x9FFFFFFF  }
0xcb: {  	(tm) =	ssettm $0x7FFFFFFF  }
tec
execute0_lowered:
.L_overlay_start_1:
0x0: {  	(tag) =	ssettag $0x1  }
0x1: {  	s1 =	srdreg.scid  }
0x2: {  	s9 =	rddreg [dreg:$0x0];
	s1 =	sand.u32 $0x1, s1  }
0x3: {  	s4 =	rddreg [dreg:$0x1];
	p0 =	seq.s32 s1, $0x1  }
.Ltmp0:
0x4: {  	s5 =	rddreg [dreg:$0x2];
	(pc) =	sbr.rel @p0 .LBB2_25-.Ltmp0, $4  }
0x5: {  	s3 =	rddreg [dreg:$0x3]  }
0x6: {  	s2 =	rddreg [dreg:$0x4];
	s10 =	simm.s32 $0x0  }
0x7: {  	[smem:$0x7FF] =	sst s10  }
0x8: {  	s0 =	rddreg [dreg:$0x5];
	_ =	strace $0x80000047;
	s1 =	stileid.u32  }
0x9: {  	s6 =	sadd.s32 $0xA00, s4;
	s11 =	sadd.s32 $0xC00, s4  }
0xa: {  	s4 =	sadd.s32 $0xE00, s4;
	s12 =	sshll.u32 s1, $0x3;
	s13 =	sshll.u32 s1, $0xB  }
0xb: {  	s7 =	sshll.u32 s1, $0x8;
	s15 =	sshll.u32 s1, $0x1;
	s30 =	sshll.u32 s1, $0x4  }
0xc: {  	s16 =	simm.s32 $0x2A80;
	s17 =	simm.s32 $0x3280;
	s18 =	simm.s32 $0x3A80  }
0xd: {  	v5 =	vlaneseq.u32;
	s19 =	simm.s32 $0x4280;
	s20 =	simm.s32 $0x1A80;
	s14 =	sadd.s32 $0x800, s13  }
0xe: {  	vm0 =	vmmov $0xffff;
	[tilespmem:s10], [sflag:$0x2] =	stream.linear.gather [hbm4b:s6+s10], $0x800, $0x38;
	v3 =	vmov s13;
	v2 =	vor.u32 s30, v5;
	[tilespmem:$0x4A80] =	vst v63  }
0xf: {  	s8 =	sadd.s32 s5, s7;
	s31 =	sor.u32 $0x100, s30;
	s5 =	sor.u32 $0x200, s30;
	v6 =	vshrl.u32 v5, $0x3;
	v8 =	vand.u32 $0x7, v5;
	v7 =	vmul.u32 $0x80, v5  }
0x10: {  	s21 =	simm.s32 $0x0;
	s7 =	sadd.s32 s4, s15;
	s13 =	simm.s32 $0x2;
	v4 =	vmov s14;
	v1 =	vor.u32 s31, v5;
	v0 =	vor.u32 s5, v5  }
0x11: {  	s15 =	simm.s32 $0x1;
	s6 =	sshrl.u32 s31, $0x3;
	_ =	swait.ge [sflag:s13], $0x800;
	v8 =	vmul.u32 $0x1000, v8;
	v9 =	vor.u32 $0x2, v6;
	v10 =	vor.u32 $0x4, v6  }
0x12: {  	s5 =	sshrl.u32 s5, $0x3;
	s14 =	simm.s32 $0x2280;
	v11 =	vor.u32 $0x6, v6;
	v12 =	vor.u32 $0x8, v6;
	[sflag:s13] =	ssyncset.done $0x0;
	v13 =	vor.u32 $0x800, v7  }
0x13: {  	s6 =	sadd.s32 s4, s6;
	s5 =	sadd.s32 s4, s5;
	v14 =	vor.u32 $0x1000, v7;
	v15 =	vor.u32 $0x1800, v7;
	v16 =	vor.u32 $0x2000, v7;
	[sflag:s13] =	ssyncadd.s32 $0xFFFFF800  }
.LBB2_2:
0x14: {  	s22 =	sadd.s32 s12, s21  }
0x15: {  	s24 =	sshll.u32 s22, $0x4  }
0x16: {  	v17 =	vor.u32 s24, v6;
	_ =	sdelay $0x3  }
0x17: {  	s23 =	simm.s32 $0x0  }
0x18: {  	v17 =	vld.idx.msk [tilespmem:v17+s23+$0x0], $0xffff;
	_ =	sdelay $0x4  }
0x19: {  	v27 =	vand.u32 $0xFFF, v17  }
0x1a: {  	v18 =	vor.u32 v8, v27;
	_ =	sdelay $0x3  }
0x1b: {  	v17 =	vor.u32 s24, v9  }
0x1c: {  	[tilespmem:s14], [sflag:$0x1] =	stream.indirect_vreg.gather [hbm4b:s9+s23], $0x80, v18, vm0, $0xb8;
	[tilespmem:$0x4A80] =	vst v63  }
0x1d: {  	_ =	swait.ge [sflag:s15], $0x800  }
0x1e: {  	[sflag:s15] =	ssyncset.done $0x0  }
0x1f: {  	[sflag:s15] =	ssyncadd.s32 $0xFFFFF800  }
0x20: {  	v17 =	vld.idx.msk [tilespmem:v17+s23+$0x0], $0xffff;
	_ =	sdelay $0x4  }
0x21: {  	v28 =	vand.u32 $0xFFF, v17  }
0x22: {  	v21 =	vor.u32 v8, v28;
	_ =	sdelay $0x3  }
0x23: {  	v17 =	vor.u32 s24, v10  }
0x24: {  	[tilespmem:s16], [sflag:$0x1] =	stream.indirect_vreg.gather [hbm4b:s9+s23], $0x80, v21, vm0, $0xb8;
	[tilespmem:$0x4A80] =	vst v63  }
0x25: {  	_ =	swait.ge [sflag:s15], $0x800  }
0x26: {  	[sflag:s15] =	ssyncset.done $0x0  }
0x27: {  	[sflag:s15] =	ssyncadd.s32 $0xFFFFF800  }
0x28: {  	v17 =	vld.idx.msk [tilespmem:v17+s23+$0x0], $0xffff;
	_ =	sdelay $0x4  }
0x29: {  	v17 =	vand.u32 $0xFFF, v17  }
0x2a: {  	v20 =	vor.u32 v8, v17;
	_ =	sdelay $0x3  }
0x2b: {  	v17 =	vor.u32 s24, v11  }
0x2c: {  	[tilespmem:s17], [sflag:$0x1] =	stream.indirect_vreg.gather [hbm4b:s9+s23], $0x80, v20, vm0, $0xb8;
	[tilespmem:$0x4A80] =	vst v63  }
0x2d: {  	_ =	swait.ge [sflag:s15], $0x800  }
0x2e: {  	[sflag:s15] =	ssyncset.done $0x0  }
0x2f: {  	[sflag:s15] =	ssyncadd.s32 $0xFFFFF800  }
0x30: {  	v17 =	vld.idx.msk [tilespmem:v17+s23+$0x0], $0xffff;
	_ =	sdelay $0x4  }
0x31: {  	v17 =	vand.u32 $0xFFF, v17  }
0x32: {  	v19 =	vor.u32 v8, v17;
	_ =	sdelay $0x3  }
0x33: {  	v17 =	vor.u32 s24, v12  }
0x34: {  	[tilespmem:s18], [sflag:$0x1] =	stream.indirect_vreg.gather [hbm4b:s9+s23], $0x80, v19, vm0, $0xb8;
	[tilespmem:$0x4A80] =	vst v63  }
0x35: {  	_ =	swait.ge [sflag:s15], $0x800  }
0x36: {  	[sflag:s15] =	ssyncset.done $0x0  }
0x37: {  	[sflag:s15] =	ssyncadd.s32 $0xFFFFF800  }
0x38: {  	v17 =	vld.idx.msk [tilespmem:v17+s23+$0x0], $0xffff;
	_ =	sdelay $0x4  }
0x39: {  	v17 =	vand.u32 $0xFFF, v17  }
0x3a: {  	v22 =	vmov s22;
	v17 =	vor.u32 v8, v17  }
0x3b: {  	v22 =	vand.u32 $0x7F, v22  }
0x3c: {  	v22 =	vbroadcast v22, $0x0;
	_ =	sdelay $0x1  }
0x3d: {  	v23 =	vor.u32 v7, v22  }
0x3e: {  	v24 =	vor.u32 v13, v22;
	[tilespmem:s19], [sflag:$0x1] =	stream.indirect_vreg.gather [hbm4b:s9+s23], $0x80, v17, vm0, $0xb8;
	[tilespmem:$0x4A80] =	vst v63  }
0x3f: {  	_ =	swait.ge [sflag:s15], $0x800  }
0x40: {  	[sflag:s15] =	ssyncset.done $0x0  }
0x41: {  	v29 =	vor.u32 v16, v22;
	[sflag:s15] =	ssyncadd.s32 $0xFFFFF800  }
0x42: {  	v25 =	vld.idx.msk [tilespmem:v23+s14+$0x0], $0xffff;
	v23 =	vor.u32 v15, v22  }
0x43: {  	v26 =	vld.idx.msk [tilespmem:v24+s14+$0x0], $0xffff;
	v24 =	vor.u32 v14, v22;
	_ =	sdelay $0x2  }
0x44: {  	s25 =	simm.s32 $0xFFFFFFFF;
	v22 =	vld.idx.msk [tilespmem:v29+s14+$0x0], $0xffff  }
0x45: {  	s31 =	simm.f32 $+Inf;
	vm6 =	vgt.s32 v18, s25;
	vm7 =	vgt.s32 v21, s25;
	v23 =	vld.idx.msk [tilespmem:v23+s14+$0x0], $0xffff  }
0x46: {  	v24 =	vld.idx.msk [tilespmem:v24+s14+$0x0], $0xffff;
	vm3 =	veq.f32 v26, s31;
	vm4 =	vlt.f32 v25, s31;
	vm5 =	veq.f32 v25, s31  }
0x47: {  	vm8 =	vlt.f32 v26, s31;
	vm5 =	vmand vm5, vm6;
	vm3 =	vmand vm3, vm7  }
0x48: {  	vm4 =	vmor vm4, vm5;
	vm3 =	vmor vm8, vm3  }
0x49: {  	vm1 =	vlt.u32 v28, v27;
	v27 =	vnsel vm4, $0xFF800000, v25;
	v28 =	vnsel vm3, $0xFF800000, v26  }
0x4a: {  	vm2 =	veq.f32 v22, s31;
	vm7 =	vgt.s32 v20, s25;
	vm4 =	vgt.f32 v28, v27  }
0x4b: {  	vm6 =	veq.f32 v28, v27;
	vm5 =	vlt.f32 v23, s31;
	vm3 =	veq.f32 v24, s31  }
0x4c: {  	vm6 =	vmand vm1, vm6;
	vm8 =	vlt.f32 v24, s31;
	vm3 =	vmand vm3, vm7  }
0x4d: {  	vm4 =	vmor vm4, vm6;
	vm6 =	veq.f32 v23, s31;
	vm3 =	vmor vm8, vm3  }
0x4e: {  	v29 =	vsel vm4, v21, v18;
	v27 =	vsel vm4, v28, v27;
	v28 =	vnsel vm3, $0xFF800000, v24  }
0x4f: {  	vm7 =	vgt.s32 v19, s25;
	vm4 =	vlt.u32 v20, v29;
	vm3 =	veq.f32 v28, v27  }
0x50: {  	vm8 =	vgt.f32 v28, v27;
	vm3 =	vmand vm3, vm4;
	vm4 =	vmand vm6, vm7  }
0x51: {  	vm3 =	vmor vm8, vm3;
	vm4 =	vmor vm5, vm4;
	vm5 =	vgt.s32 v17, s25  }
0x52: {  	v29 =	vsel vm3, v20, v29;
	v27 =	vsel vm3, v28, v27;
	v28 =	vnsel vm4, $0xFF800000, v23  }
0x53: {  	vm2 =	vmand vm2, vm5;
	vm4 =	veq.f32 v28, v27;
	vm6 =	vlt.u32 v19, v29  }
0x54: {  	vm3 =	vgt.f32 v28, v27;
	vm4 =	vmand vm4, vm6;
	vm6 =	vlt.f32 v22, s31  }
0x55: {  	vm3 =	vmor vm3, vm4;
	vm2 =	vmor vm6, vm2  }
0x56: {  	v29 =	vsel vm3, v19, v29;
	v27 =	vsel vm3, v28, v27;
	v28 =	vnsel vm2, $0xFF800000, v22  }
0x57: {  	vm2 =	veq.f32 v28, v27;
	vm3 =	vlt.u32 v17, v29  }
0x58: {  	vm4 =	vgt.f32 v28, v27;
	vm2 =	vmand vm2, vm3  }
0x59: {  	vm2 =	vmor vm4, vm2  }
0x5a: {  	v27 =	vsel vm2, v28, v27  }
0x5b: {  	(xrf0) =	vmax.scan.msk.f32 $0xffff, v27;
	_ =	sdelay $0x5  }
0x5c: {  	v28, _, _ =	vpop (xrf0)  }
0x5d: {  	v30 =	vbroadcast v28, $0xF  }
0x5e: {  	v29 =	vsel vm2, v17, v29  }
0x5f: {  	vm2 =	veq.f32 v27, v30;
	v27 =	vor.u32 $0x80000000, v29  }
0x60: {  	v27 =	vnsel vm2, $0xC0000000, v27  }
0x61: {  	(xrf0) =	vmin.scan.msk.u32 $0xffff, v27;
	_ =	sdelay $0x5  }
0x62: {  	(v2sf) =	vpush v28, $0xF;
	v27, _, _ =	vpop (xrf0)  }
0x63: {  	(v2sf) =	vpush v27, $0xF;
	_ =	sdelay $0xd  }
0x64: {  	v28 =	vmov s23;
	s25 =	spop (v2sf)  }
0x65: {  	vm3 =	veq.s32 v28, v5;
	v27 =	vimm.s32 $0x0;
	vm4 =	veq.f32 v26, s25;
	s26 =	spop (v2sf)  }
0x66: {  	s24 =	simm.s32 $0x2;
	s23 =	simm.s32 $0x1;
	vm2 =	veq.f32 v22, s25;
	vm5 =	vlt.f32 v25, s25;
	vm6 =	vlt.f32 v26, s25;
	s28 =	sxor.u32 $0x80000000, s26  }
.LBB2_3:
0x67: {  	p0 =	sne.s32 s24, $0x9;
	vm7 =	veq.f32 v25, s25;
	vm8 =	vgt.s32 v18, s28;
	vm9 =	vgt.s32 v21, s28;
	s26 =	smov.u32 s24;
	s24 =	sadd.s32 $0x1, s24  }
0x68: {  	v27 =	vsel vm3, s28, v27;
	vm7 =	vmand vm7, vm8;
	vm4 =	vmand vm4, vm9  }
0x69: {  	vm3 =	vmor vm5, vm7;
	vm4 =	vmor vm6, vm4;
	vm5 =	vlt.f32 v23, s25  }
0x6a: {  	v28 =	vnsel vm3, $0xFF800000, v25;
	v29 =	vnsel vm4, $0xFF800000, v26;
	vm3 =	veq.f32 v24, s25  }
0x6b: {  	vm7 =	vgt.s32 v20, s28;
	vm4 =	vgt.f32 v29, v28;
	vm6 =	veq.f32 v29, v28  }
0x6c: {  	vm8 =	vlt.f32 v24, s25;
	vm3 =	vmand vm3, vm7;
	vm6 =	vmand vm1, vm6  }
0x6d: {  	vm3 =	vmor vm8, vm3;
	vm4 =	vmor vm4, vm6;
	vm6 =	veq.f32 v23, s25  }
0x6e: {  	v30 =	vsel vm4, v21, v18;
	v28 =	vsel vm4, v29, v28;
	v29 =	vnsel vm3, $0xFF800000, v24  }
0x6f: {  	vm7 =	vgt.s32 v19, s28;
	vm3 =	veq.f32 v29, v28;
	vm4 =	vlt.u32 v20, v30  }
0x70: {  	vm8 =	vgt.f32 v29, v28;
	vm3 =	vmand vm3, vm4;
	vm4 =	vmand vm6, vm7  }
0x71: {  	vm3 =	vmor vm8, vm3;
	vm4 =	vmor vm5, vm4;
	vm5 =	vgt.s32 v17, s28  }
0x72: {  	v30 =	vsel vm3, v20, v30;
	v28 =	vsel vm3, v29, v28;
	v29 =	vnsel vm4, $0xFF800000, v23  }
0x73: {  	vm3 =	vgt.f32 v29, v28;
	vm4 =	veq.f32 v29, v28;
	vm6 =	vlt.u32 v19, v30  }
0x74: {  	vm2 =	vmand vm2, vm5;
	vm4 =	vmand vm4, vm6;
	vm6 =	vlt.f32 v22, s25  }
0x75: {  	vm3 =	vmor vm3, vm4;
	vm2 =	vmor vm6, vm2  }
0x76: {  	v30 =	vsel vm3, v19, v30;
	v28 =	vsel vm3, v29, v28;
	v29 =	vnsel vm2, $0xFF800000, v22  }
0x77: {  	vm2 =	veq.f32 v29, v28;
	vm3 =	vlt.u32 v17, v30  }
0x78: {  	vm4 =	vgt.f32 v29, v28;
	vm2 =	vmand vm2, vm3  }
0x79: {  	vm2 =	vmor vm4, vm2  }
0x7a: {  	v30 =	vsel vm2, v17, v30;
	v28 =	vsel vm2, v29, v28  }
0x7b: {  	(xrf0) =	vmax.scan.msk.f32 $0xffff, v28;
	_ =	sdelay $0x5  }
0x7c: {  	v29, _, _ =	vpop (xrf0)  }
0x7d: {  	v31 =	vbroadcast v29, $0xF;
	(v2sf) =	vpush v29, $0xF;
	_ =	sdelay $0x1  }
0x7e: {  	vm2 =	veq.f32 v28, v31;
	v28 =	vor.u32 $0x80000000, v30  }
0x7f: {  	v28 =	vnsel vm2, $0xC0000000, v28  }
0x80: {  	(xrf0) =	vmin.scan.msk.u32 $0xffff, v28;
	_ =	sdelay $0x5  }
0x81: {  	v28, _, _ =	vpop (xrf0)  }
0x82: {  	(v2sf) =	vpush v28, $0xF;
	_ =	sdelay $0x3  }
0x83: {  	s25 =	spop (v2sf)  }
0x84: {  	vm4 =	veq.f32 v26, s25;
	_ =	sdelay $0x6  }
.Ltmp1:
0x85: {  	(pc) =	sbr.rel @p0 .LBB2_3-.Ltmp1, $3  }
0x86: {  	_ =	sdelay $0x1  }
0x87: {  	v28 =	vmov s23;
	s23 =	smov.u32 s26;
	vm2 =	veq.f32 v22, s25;
	s28 =	spop (v2sf)  }
0x88: {  	vm3 =	veq.s32 v28, v5;
	vm5 =	vlt.f32 v25, s25;
	vm6 =	vlt.f32 v26, s25;
	s28 =	sxor.u32 $0x80000000, s28  }
0x89: {  	vm7 =	veq.f32 v25, s25;
	vm8 =	vgt.s32 v18, s28;
	vm9 =	vgt.s32 v21, s28  }
0x8a: {  	vm7 =	vmand vm7, vm8;
	vm4 =	vmand vm4, vm9  }
0x8b: {  	vm13 =	veq.f32 v24, s25;
	vm5 =	vmor vm5, vm7;
	vm4 =	vmor vm6, vm4  }
0x8c: {  	vm15 =	vgt.s32 v20, s28;
	v56 =	vnsel vm5, $0xFF800000, v25;
	v26 =	vnsel vm4, $0xFF800000, v26  }
0x8d: {  	vm11 =	vlt.f32 v24, s25;
	vm12 =	veq.f32 v23, s25;
	vm14 =	veq.f32 v26, v56  }
0x8e: {  	vm4 =	vmand vm13, vm15;
	vm5 =	vgt.f32 v26, v56;
	vm1 =	vmand vm1, vm14  }
0x8f: {  	vm6 =	vlt.f32 v23, s25;
	vm4 =	vmor vm11, vm4;
	vm1 =	vmor vm5, vm1  }
0x90: {  	v58 =	vnsel vm4, $0xFF800000, v24;
	v18 =	vsel vm1, v21, v18;
	v57 =	vsel vm1, v26, v56  }
0x91: {  	vm14 =	vgt.s32 v19, s28;
	vm1 =	veq.f32 v58, v57;
	vm13 =	vlt.u32 v20, v18  }
0x92: {  	vm11 =	vmand vm12, vm14;
	vm15 =	vgt.f32 v58, v57;
	vm1 =	vmand vm1, vm13  }
0x93: {  	vm12 =	vgt.s32 v17, s28;
	vm4 =	vmor vm6, vm11;
	vm1 =	vmor vm15, vm1  }
0x94: {  	v60 =	vnsel vm4, $0xFF800000, v23;
	v18 =	vsel vm1, v20, v18;
	v59 =	vsel vm1, v58, v57  }
0x95: {  	vm14 =	vlt.f32 v22, s25;
	vm4 =	veq.f32 v60, v59;
	vm13 =	vlt.u32 v19, v18  }
0x96: {  	vm2 =	vmand vm2, vm12;
	vm1 =	vgt.f32 v60, v59;
	vm4 =	vmand vm4, vm13  }
0x97: {  	vm2 =	vmor vm14, vm2;
	vm1 =	vmor vm1, vm4  }
0x98: {  	v61 =	vnsel vm2, $0xFF800000, v22;
	v18 =	vsel vm1, v19, v18;
	v19 =	vsel vm1, v60, v59  }
0x99: {  	vm1 =	veq.f32 v61, v19;
	vm2 =	vlt.u32 v17, v18  }
0x9a: {  	vm15 =	vgt.f32 v61, v19;
	vm1 =	vmand vm1, vm2  }
0x9b: {  	vm1 =	vmor vm15, vm1  }
0x9c: {  	v19 =	vsel vm1, v61, v19  }
0x9d: {  	(xrf0) =	vmax.scan.msk.f32 $0xffff, v19;
	_ =	sdelay $0x5  }
0x9e: {  	v62, _, _ =	vpop (xrf0)  }
0x9f: {  	v63 =	vbroadcast v62, $0xF  }
0xa0: {  	v17 =	vsel vm1, v17, v18  }
0xa1: {  	v17 =	vor.u32 $0x80000000, v17;
	vm1 =	veq.f32 v19, v63  }
0xa2: {  	v17 =	vnsel vm1, $0xC0000000, v17  }
0xa3: {  	(xrf0) =	vmin.scan.msk.u32 $0xffff, v17;
	_ =	sdelay $0x5  }
0xa4: {  	(v2sf) =	vpush v62, $0xF;
	v17, _, _ =	vpop (xrf0)  }
0xa5: {  	(v2sf) =	vpush v17, $0xF;
	_ =	sdelay $0xd  }
0xa6: {  	s24 =	spop (v2sf)  }
0xa7: {  	v17 =	vmov s23;
	s31 =	spop (v2sf)  }
0xa8: {  	s21 =	sadd.s32 $0x1, s21;
	v18 =	vsel vm3, s28, v27;
	vm1 =	veq.s32 v17, v5;
	s23 =	sxor.u32 $0x80000000, s31  }
0xa9: {  	s22 =	sshll.u32 s22, $0x1;
	p0 =	sne.s32 s21, $0x8;
	v17 =	vsel vm1, s23, v18  }
.Ltmp2:
0xaa: {  	s22 =	sadd.s32 s11, s22;
	[tilespmem:$0x1A80] =	vst v17;
	(pc) =	sbr.rel @p0 .LBB2_2-.Ltmp2, $4  }
0xab: {  	[hbm4b:s22+s10] =	stream.linear.scatter [tilespmem:s20], [sflag:$0x2], $0x10, $0x38;
	[tilespmem:$0x4A80] =	vst v63  }
0xac: {  	_ =	swait.ge [sflag:s13], $0x10  }
0xad: {  	[sflag:s13] =	ssyncset.done $0x0  }
0xae: {  	[sflag:s13] =	ssyncadd.s32 $0xFFFFFFF0  }
0xaf: {  	[bflag:$0x0] =	sbarrier.arrive $0xFFFF  }
0xb0: {  	s9 =	simm.s32 $0x0;
	s10 =	simm.s32 $0x800;
	s31 =	simm.s32 $0x2  }
0xb1: {  	[tilespmem:s10], [sflag:$0x2] =	stream.linear.gather [hbm4b:s11+s9], $0x800, $0x38;
	[tilespmem:$0x4A80] =	vst v63  }
0xb2: {  	_ =	swait.ge [sflag:s31], $0x800  }
0xb3: {  	[sflag:s31] =	ssyncset.done $0x0  }
0xb4: {  	v5 =	vlaneseq.u32;
	v6 =	vimm.s32 $0x0;
	s10 =	simm.s32 $0x1000;
	s11 =	simm.s32 $0x0;
	[sflag:s31] =	ssyncadd.s32 $0xFFFFF800  }
.LBB2_6:
0xb5: {  	v7 =	vor.u32 s11, v5;
	p0 =	sne.s32 s11, $0x7F0  }
.Ltmp3:
0xb6: {  	_ = 	snop;
	(pc) =	sbr.rel @p0 .LBB2_6-.Ltmp3, $2  }
0xb7: {  	_ =	sdelay $0x2  }
0xb8: {  	s11 =	sadd.s32 $0x10, s11;
	[tilespmem:v7+s10+$0x0] =	vst.idx.msk $0xffff, v6  }
0xb9: {  	v5 =	vlaneseq.u32;
	s10 =	simm.s32 $0x800;
	vm0 =	vcmask $0x2714;
	v6 =	vimm.s32 $0xFFFFFFFF;
	s11 =	simm.s32 $0x1000  }
.LBB2_8:
0xba: {  	v7 =	vor.u32 s9, v5;
	_ =	sdelay $0x4  }
0xbb: {  	v7 =	vld.idx.msk [tilespmem:v7+s10+$0x0], $0xffff;
	_ =	sdelay $0x4  }
0xbc: {  	v8 =	vand.u32 $0x7FFF, v7  }
0xbd: {  	vm1 =	vge.u32 v8, v3;
	vm2 =	vlt.u32 v8, v4  }
0xbe: {  	v8 =	vsub.s32 v8, v3;
	vm1 =	vmand vm1, vm2  }
0xbf: {  	v7 =	vand.u32 $0x7F, v7;
	v8 =	vand.u32 $0xFFFFFF80, v8;
	vm1 =	vmand vm1, vm0  }
0xc0: {  	p0 =	sne.s32 s9, $0x7F0;
	v7 =	vor.u32 v7, v8  }
.Ltmp4:
0xc1: {  	_ = 	snop;
	(pc) =	sbr.rel @p0 .LBB2_8-.Ltmp4, $2  }
0xc2: {  	_ =	sdelay $0x2  }
0xc3: {  	s9 =	sadd.s32 $0x10, s9;
	[tilespmem:v7+s11+$0x0] =	vst.idx.msk vm1, v6  }
0xc4: {  	s9 =	simm.s32 $0x0;
	v5 =	vlaneseq.u32  }
0xc5: {  	v6 =	vor.u32 s9, v5;
	_ =	sdelay $0x3  }
0xc6: {  	s10 =	simm.s32 $0x800  }
0xc7: {  	v6 =	vld.idx.msk [tilespmem:v6+s10+$0x0], $0xffff;
	_ =	sdelay $0x4  }
0xc8: {  	v7 =	vand.u32 $0x7FFF, v6  }
0xc9: {  	vm1 =	vge.u32 v7, v3;
	vm2 =	vlt.u32 v7, v4  }
0xca: {  	vm0 =	vmmov $0x1f;
	v7 =	vsub.s32 v7, v3;
	vm1 =	vmand vm1, vm2  }
0xcb: {  	v6 =	vand.u32 $0x7F, v6;
	v7 =	vand.u32 $0xFFFFFF80, v7;
	vm1 =	vmand vm1, vm0  }
0xcc: {  	s11 =	simm.s32 $0x10;
	v6 =	vor.u32 v6, v7  }
0xcd: {  	v8 =	vimm.s32 $0x1;
	s9 =	simm.s32 $0x1000;
	v7 =	vor.u32 s11, v5;
	s11 =	simm.s32 $0x20  }
.LBB2_10:
0xce: {  	p0 =	sne.s32 s11, $0x7F0;
	_ =	sdelay $0x2  }
0xcf: {  	[tilespmem:v6+s9+$0x0] =	vst.idx.msk vm1, v8  }
0xd0: {  	v6 =	vld.idx.msk [tilespmem:v7+s10+$0x0], $0xffff;
	_ =	sdelay $0x5  }
0xd1: {  	v7 =	vand.u32 $0x7FFF, v6  }
.Ltmp5:
0xd2: {  	vm1 =	vge.u32 v7, v3;
	vm2 =	vlt.u32 v7, v4;
	(pc) =	sbr.rel @p0 .LBB2_10-.Ltmp5, $4  }
0xd3: {  	v7 =	vsub.s32 v7, v3;
	vm1 =	vmand vm1, vm2  }
0xd4: {  	v6 =	vand.u32 $0x7F, v6;
	v7 =	vand.u32 $0xFFFFFF80, v7;
	vm1 =	vmand vm1, vm0  }
0xd5: {  	v6 =	vor.u32 v6, v7  }
0xd6: {  	v7 =	vor.u32 s11, v5;
	s11 =	sadd.s32 $0x10, s11  }
0xd7: {  	_ =	sdelay $0x4  }
0xd8: {  	[tilespmem:v6+s9+$0x0] =	vst.idx.msk vm1, v8  }
0xd9: {  	v7 =	vld.idx.msk [tilespmem:v7+s10+$0x0], $0xffff;
	_ =	sdelay $0x1  }
0xda: {  	s29 =	simm.s32 $0x0;
	v6 =	vlaneseq.u32  }
0xdb: {  	v5 =	vor.u32 s29, v6  }
0xdc: {  	v10 =	vmulhi.u32 $0xCCCCCCCD, v5  }
0xdd: {  	v11 =	vsub.s32 $0x0, v5;
	v9 =	vand.u32 $0x7FFF, v7  }
0xde: {  	v10 =	vshrl.u32 v10, $0x2;
	v7 =	vand.u32 $0x7F, v7;
	vm11 =	vge.u32 v9, v3  }
0xdf: {  	vm2 =	vlt.u32 v9, v4;
	v3 =	vsub.s32 v9, v3;
	v4 =	vmul.u32 $0xFFFFFFFB, v10  }
0xe0: {  	v9 =	vmov s29;
	vm1 =	vmand vm11, vm2;
	v3 =	vand.u32 $0xFFFFFF80, v3  }
0xe1: {  	vm12 =	veq.s32 v9, v6;
	vm0 =	vmand vm1, vm0;
	vm13 =	vne.s32 v4, v11  }
0xe2: {  	v9 =	vor.u32 v7, v3;
	v4 =	vimm.s32 $0x0;
	vm1 =	vmand vm12, vm13  }
0xe3: {  	s11 =	simm.s32 $0x10;
	v7 =	vsel vm1, $0xFFFFFFFF, v4  }
0xe4: {  	v3 =	vor.u32 s11, v6;
	v7 =	vadd.s32 v7, v10  }
0xe5: {  	v10 =	vmulhi.u32 $0xCCCCCCCD, v3;
	v11 =	vmul.u32 $0xFFFFFFFB, v7;
	_ =	sdelay $0x1  }
0xe6: {  	[tilespmem:v9+s9+$0x0] =	vst.idx.msk vm0, v8;
	v9 =	vshrl.u32 v10, $0x2;
	v8 =	vadd.s32 v5, v11;
	v10 =	vshll.u32 v7, $0x4  }
0xe7: {  	s30 =	simm.s32 $0x1000;
	s31 =	simm.s32 $0x2;
	v11 =	vmul.u32 $0xFFFFFFFB, v9;
	v10 =	vadd.s32 v10, v8  }
0xe8: {  	v12 =	vsub.s32 $0x0, v3;
	[hbm4b:s8+s29] =	stream.linear.scatter [tilespmem:s30], [sflag:$0x2], $0x800, $0x38;
	v8 =	vmov s11;
	[tilespmem:$0x4A80] =	vst v63  }
0xe9: {  	_ =	swait.ge [sflag:s31], $0x800;
	vm14 =	veq.s32 v8, v6;
	vm15 =	vne.s32 v11, v12  }
0xea: {  	[sflag:s31] =	ssyncset.done $0x0;
	vm0 =	vmand vm14, vm15  }
0xeb: {  	s10 =	simm.s32 $0x20;
	s9 =	simm.s32 $0x800;
	[sflag:s31] =	ssyncadd.s32 $0xFFFFF800;
	v11 =	vsel vm0, $0xFFFFFFFF, v4  }
0xec: {  	s8 =	simm.s32 $0x1800;
	s11 =	simm.s32 $0x30;
	v8 =	vor.u32 s10, v6;
	v9 =	vadd.s32 v11, v9;
	v10 =	vld.idx.msk [tilespmem:v10+s9+$0x0], $0xffff  }
.LBB2_12:
0xed: {  	p0 =	sne.s32 s11, $0x270;
	v11 =	vmulhi.u32 $0xCCCCCCCD, v8;
	v12 =	vmul.u32 $0xFFFFFFFB, v9;
	_ =	sdelay $0x1  }
0xee: {  	v13 =	vshll.u32 v9, $0x4;
	v11 =	vshrl.u32 v11, $0x2;
	v12 =	vadd.s32 v3, v12  }
0xef: {  	v14 =	vmul.u32 $0xFFFFFFFB, v11;
	v12 =	vadd.s32 v13, v12  }
.Ltmp6:
0xf0: {  	v15 =	vsub.s32 $0x0, v8;
	v13 =	vmov s10;
	s10 =	smov.u32 s11;
	(pc) =	sbr.rel @p0 .LBB2_12-.Ltmp6, $4  }
0xf1: {  	vm0 =	veq.s32 v13, v6;
	v10 =	vshll.u32 v10, $0x7;
	vm1 =	vne.s32 v14, v15  }
0xf2: {  	v10 =	vadd.s32 v7, v10;
	v7 =	vmov v9;
	vm0 =	vmand vm0, vm1  }
0xf3: {  	v9 =	vsel vm0, $0xFFFFFFFF, v4;
	[tilespmem:v5+s8+$0x0] =	vst.idx.msk $0xffff, v10;
	v5 =	vmov v3;
	v3 =	vmov v8  }
0xf4: {  	s11 =	sadd.s32 $0x10, s11;
	v8 =	vor.u32 s10, v6;
	v9 =	vadd.s32 v9, v11;
	v10 =	vld.idx.msk [tilespmem:v12+s9+$0x0], $0xffff  }
0xf5: {  	v11 =	vmulhi.u32 $0xCCCCCCCD, v8  }
0xf6: {  	v12 =	vmul.u32 $0xFFFFFFFB, v9  }
0xf7: {  	v11 =	vshrl.u32 v11, $0x2  }
0xf8: {  	v13 =	vshll.u32 v9, $0x4;
	v12 =	vadd.s32 v3, v12;
	v14 =	vmul.u32 $0xFFFFFFFB, v11  }
0xf9: {  	v63 =	vmov s10;
	v15 =	vsub.s32 $0x0, v8;
	v12 =	vadd.s32 v13, v12  }
0xfa: {  	vm0 =	veq.s32 v63, v6;
	vm1 =	vne.s32 v14, v15  }
0xfb: {  	v6 =	vshll.u32 v10, $0x7;
	vm0 =	vmand vm0, vm1  }
0xfc: {  	v6 =	vadd.s32 v7, v6;
	v4 =	vsel vm0, $0xFFFFFFFF, v4  }
0xfd: {  	[tilespmem:v5+s8+$0x0] =	vst.idx.msk $0xffff, v6;
	v4 =	vadd.s32 v4, v11  }
0xfe: {  	v5 =	vld.idx.msk [tilespmem:v12+s9+$0x0], $0xffff;
	v6 =	vmul.u32 $0xFFFFFFFB, v4;
	_ =	sdelay $0x1  }
0xff: {  	v7 =	vshll.u32 v4, $0x4;
	v6 =	vadd.s32 v8, v6  }
0x100: {  	v6 =	vadd.s32 v7, v6;
	_ =	sdelay $0x1  }
0x101: {  	v5 =	vshll.u32 v5, $0x7  }
0x102: {  	v5 =	vadd.s32 v9, v5  }
0x103: {  	[tilespmem:v3+s8+$0x0] =	vst.idx.msk $0xffff, v5  }
0x104: {  	v5 =	vld.idx.msk [tilespmem:v6+s9+$0x0], $0xffff  }
0x105: {  	s29 =	simm.s32 $0x0;
	v3 =	vlaneseq.u32  }
0x106: {  	v6 =	vadd.s32 s29, v3  }
0x107: {  	s9 =	sand.u32 $0x3F0, s29;
	v6 =	vand.u32 $0xF, v6  }
0x108: {  	v6 =	vor.u32 s9, v6  }
0x109: {  	v5 =	vshll.u32 v5, $0x7  }
0x10a: {  	v4 =	vadd.s32 v4, v5  }
0x10b: {  	s30 =	simm.s32 $0x1;
	[tilespmem:v8+s8+$0x0] =	vst.idx.msk $0xffff, v4;
	s8 =	simm.s32 $0x1800  }
0x10c: {  	v4 =	vadd.s32 s30, v3;
	v2 =	vld.idx.msk [tilespmem:v2+s8+$0x0], $0xffff  }
0x10d: {  	s31 =	sand.u32 $0x3F0, s30;
	v5 =	vand.u32 $0xF, v4;
	v6 =	vld.idx.msk [tilespmem:v6+s8+$0x0], $0xffff  }
0x10e: {  	s9 =	simm.s32 $0x2;
	v4 =	vimm.s32 $0x0;
	v7 =	vor.u32 s31, v5;
	v5 =	vimm.s32 $0x0  }
.LBB2_14:
0x10f: {  	p0 =	sne.s32 s9, $0x27F  }
.Ltmp7:
0x110: {  	_ = 	snop;
	(pc) =	sbr.rel @p0 .LBB2_14-.Ltmp7, $4  }
0x111: {  	v8 =	vadd.s32 s9, v3;
	s10 =	smov.u32 s9  }
0x112: {  	s10 =	sand.u32 $0x3F0, s10;
	v8 =	vand.u32 $0xF, v8;
	vm0 =	vlt.s32 v6, v2  }
0x113: {  	v6 =	vld.idx.msk [tilespmem:v7+s8+$0x0], $0xffff;
	v7 =	vor.u32 s10, v8;
	v8 =	vsel vm0, $0x1, v4  }
0x114: {  	s9 =	sadd.s32 $0x1, s9;
	v5 =	vadd.s32 v8, v5  }
0x115: {  	_ =	sdelay $0x3  }
0x116: {  	v3 =	vld.idx.msk [tilespmem:v7+s8+$0x0], $0xffff;
	_ =	sdelay $0x3  }
0x117: {  	vm0 =	vlt.s32 v6, v2  }
0x118: {  	v6 =	vsel vm0, $0x1, v4;
	vm15 =	vlt.s32 v3, v2  }
0x119: {  	v2 =	vadd.s32 v6, v5;
	v3 =	vsel vm15, $0x1, v4  }
0x11a: {  	v2 =	vadd.s32 v3, v2  }
0x11b: {  	s28 =	simm.s32 $0x0;
	[tilespmem:$0x1A80] =	vst v2;
	v2 =	vlaneseq.u32  }
0x11c: {  	v3 =	vadd.s32 s28, v2  }
0x11d: {  	s9 =	simm.s32 $0x1A80;
	s30 =	simm.s32 $0x2;
	s29 =	sand.u32 $0x3F0, s28;
	v3 =	vand.u32 $0xF, v3  }
0x11e: {  	[hbm4b:s7+s28] =	stream.linear.scatter [tilespmem:s9], [sflag:$0x2], $0x10, $0x38;
	v4 =	vor.u32 s29, v3;
	[tilespmem:$0x4A80] =	vst v63  }
0x11f: {  	_ =	swait.ge [sflag:s30], $0x10  }
0x120: {  	[sflag:s30] =	ssyncset.done $0x0  }
0x121: {  	s31 =	simm.s32 $0x1;
	s7 =	simm.s32 $0x1800;
	[sflag:s30] =	ssyncadd.s32 $0xFFFFFFF0  }
0x122: {  	v3 =	vadd.s32 s31, v2;
	v1 =	vld.idx.msk [tilespmem:v1+s7+$0x0], $0xffff  }
0x123: {  	s9 =	sand.u32 $0x3F0, s31;
	v6 =	vand.u32 $0xF, v3;
	v5 =	vld.idx.msk [tilespmem:v4+s7+$0x0], $0xffff  }
0x124: {  	s8 =	simm.s32 $0x2;
	v3 =	vimm.s32 $0x0;
	v6 =	vor.u32 s9, v6;
	v4 =	vimm.s32 $0x0  }
.LBB2_16:
0x125: {  	p0 =	sne.s32 s8, $0x27F  }
.Ltmp8:
0x126: {  	_ = 	snop;
	(pc) =	sbr.rel @p0 .LBB2_16-.Ltmp8, $4  }
0x127: {  	v7 =	vadd.s32 s8, v2;
	s9 =	smov.u32 s8  }
0x128: {  	s9 =	sand.u32 $0x3F0, s9;
	v7 =	vand.u32 $0xF, v7;
	vm0 =	vlt.s32 v5, v1  }
0x129: {  	v5 =	vld.idx.msk [tilespmem:v6+s7+$0x0], $0xffff;
	v6 =	vor.u32 s9, v7;
	v7 =	vsel vm0, $0x1, v3  }
0x12a: {  	s8 =	sadd.s32 $0x1, s8;
	v4 =	vadd.s32 v7, v4  }
0x12b: {  	_ =	sdelay $0x3  }
0x12c: {  	v2 =	vld.idx.msk [tilespmem:v6+s7+$0x0], $0xffff;
	_ =	sdelay $0x3  }
0x12d: {  	vm0 =	vlt.s32 v5, v1  }
0x12e: {  	v5 =	vsel vm0, $0x1, v3;
	vm15 =	vlt.s32 v2, v1  }
0x12f: {  	v1 =	vadd.s32 v5, v4;
	v2 =	vsel vm15, $0x1, v3  }
0x130: {  	s7 =	simm.s32 $0x0;
	p0 =	slt.u32 s1, $0x8;
	v1 =	vadd.s32 v2, v1  }
.Ltmp9:
0x131: {  	s8 =	simm.s32 $0x1A80;
	s31 =	simm.s32 $0x2;
	[tilespmem:$0x1A80] =	vst v1;
	(pc) =	sbr.rel @!p0 .LBB2_18-.Ltmp9, $4  }
0x132: {  	[hbm4b:s6+s7] =	stream.linear.scatter [tilespmem:s8], [sflag:$0x2], $0x10, $0x38;
	[tilespmem:$0x4A80] =	vst v63  }
0x133: {  	_ =	swait.ge [sflag:s31], $0x10  }
0x134: {  	[sflag:s31] =	ssyncset.done $0x0  }
0x135: {  	[sflag:s31] =	ssyncadd.s32 $0xFFFFFFF0  }
0x136: {  	v1 =	vlaneseq.u32  }
0x137: {  	v2 =	vadd.s32 s7, v1  }
0x138: {  	s6 =	sand.u32 $0x3F0, s7;
	v2 =	vand.u32 $0xF, v2  }
0x139: {  	v3 =	vor.u32 s6, v2;
	_ =	sdelay $0x2  }
0x13a: {  	s31 =	simm.s32 $0x1;
	s6 =	simm.s32 $0x1800  }
0x13b: {  	v2 =	vadd.s32 s31, v1;
	v0 =	vld.idx.msk [tilespmem:v0+s6+$0x0], $0xffff  }
0x13c: {  	s8 =	sand.u32 $0x3F0, s31;
	v5 =	vand.u32 $0xF, v2;
	v4 =	vld.idx.msk [tilespmem:v3+s6+$0x0], $0xffff  }
0x13d: {  	s7 =	simm.s32 $0x2;
	v2 =	vimm.s32 $0x0;
	v5 =	vor.u32 s8, v5;
	v3 =	vimm.s32 $0x0  }
.LBB2_20:
0x13e: {  	p0 =	sne.s32 s7, $0x27F  }
.Ltmp10:
0x13f: {  	_ = 	snop;
	(pc) =	sbr.rel @p0 .LBB2_20-.Ltmp10, $4  }
0x140: {  	v6 =	vadd.s32 s7, v1;
	s8 =	smov.u32 s7  }
0x141: {  	s8 =	sand.u32 $0x3F0, s8;
	v6 =	vand.u32 $0xF, v6;
	vm0 =	vlt.s32 v4, v0  }
0x142: {  	v4 =	vld.idx.msk [tilespmem:v5+s6+$0x0], $0xffff;
	v5 =	vor.u32 s8, v6;
	v6 =	vsel vm0, $0x1, v2  }
0x143: {  	s7 =	sadd.s32 $0x1, s7;
	v3 =	vadd.s32 v6, v3  }
0x144: {  	_ =	sdelay $0x3  }
0x145: {  	v1 =	vld.idx.msk [tilespmem:v5+s6+$0x0], $0xffff;
	_ =	sdelay $0x3  }
0x146: {  	vm0 =	vlt.s32 v4, v0  }
0x147: {  	v4 =	vsel vm0, $0x1, v2;
	vm15 =	vlt.s32 v1, v0  }
0x148: {  	v63 =	vadd.s32 v4, v3;
	v1 =	vsel vm15, $0x1, v2  }
0x149: {  	v0 =	vadd.s32 v1, v63  }
0x14a: {  	s6 =	simm.s32 $0x0;
	s7 =	simm.s32 $0x1A80;
	[tilespmem:$0x1A80] =	vst v0  }
0x14b: {  	[hbm4b:s5+s6] =	stream.linear.scatter [tilespmem:s7], [sflag:$0x2], $0x10, $0x38;
	[tilespmem:$0x4A80] =	vst v63  }
0x14c: {  	p0 =	sne.s32 s1, $0x0;
	s7 =	simm.s32 $0x2  }
.Ltmp11:
0x14d: {  	_ =	swait.ge [sflag:s7], $0x10;
	(pc) =	sbr.rel @p0 .LBB2_25-.Ltmp11, $3  }
0x14e: {  	[sflag:s7] =	ssyncset.done $0x0  }
0x14f: {  	[sflag:s7] =	ssyncadd.s32 $0xFFFFFFF0  }
0x150: {  	[bflag:$0x0] =	sbarrier.arrive $0xFFFF;
	_ =	sdelay $0x1  }
0x151: {  	v0 =	vlaneseq.u32  }
0x152: {  	s5 =	simm.s32 $0x1B00;
	v2 =	vor.u32 s6, v0  }
0x153: {  	[tilespmem:s5], [sflag:$0x2] =	stream.linear.gather [hbm4b:s4+s6], $0x280, $0x38;
	[tilespmem:$0x4A80] =	vst v63  }
0x154: {  	_ =	swait.ge [sflag:s7], $0x280  }
0x155: {  	[sflag:s7] =	ssyncset.done $0x0  }
0x156: {  	[sflag:s7] =	ssyncadd.s32 $0xFFFFFD80  }
0x157: {  	v1 =	vld.idx.msk [tilespmem:v2+s5+$0x0], $0xffff  }
0x158: {  	s4 =	simm.s32 $0x1800  }
0x159: {  	v3 =	vld.idx.msk [tilespmem:v2+s4+$0x0], $0xffff;
	_ =	sdelay $0x1  }
0x15a: {  	s8 =	simm.s32 $0x10  }
0x15b: {  	v2 =	vor.u32 s8, v0  }
0x15c: {  	s6 =	simm.s32 $0x2000;
	s7 =	simm.s32 $0x1D80;
	s8 =	simm.s32 $0x20  }
.LBB2_23:
0x15d: {  	p0 =	sne.s32 s8, $0x270;
	v4 =	vshra.s32 v3, $0x7  }
0x15e: {  	v3 =	vand.u32 $0x7F, v3;
	[tilespmem:v1+s7+$0x0] =	vst.idx.msk $0xffff, v4  }
0x15f: {  	[tilespmem:v1+s6+$0x0] =	vst.idx.msk $0xffff, v3  }
0x160: {  	v1 =	vld.idx.msk [tilespmem:v2+s5+$0x0], $0xffff  }
0x161: {  	v3 =	vld.idx.msk [tilespmem:v2+s4+$0x0], $0xffff  }
.Ltmp12:
0x162: {  	(pc) =	sbr.rel @p0 .LBB2_23-.Ltmp12, $3  }
0x163: {  	_ =	sdelay $0x1  }
0x164: {  	v2 =	vor.u32 s8, v0  }
0x165: {  	s8 =	sadd.s32 $0x10, s8  }
0x166: {  	_ =	sdelay $0x2  }
0x167: {  	v0 =	vshra.s32 v3, $0x7  }
0x168: {  	v63 =	vand.u32 $0x7F, v3;
	[tilespmem:v1+s7+$0x0] =	vst.idx.msk $0xffff, v0  }
0x169: {  	[tilespmem:v1+s6+$0x0] =	vst.idx.msk $0xffff, v63  }
0x16a: {  	v0 =	vld.idx.msk [tilespmem:v2+s5+$0x0], $0xffff;
	_ =	sdelay $0x1  }
0x16b: {  	v1 =	vld.idx.msk [tilespmem:v2+s4+$0x0], $0xffff;
	_ =	sdelay $0x4  }
0x16c: {  	v2 =	vshra.s32 v1, $0x7  }
0x16d: {  	v1 =	vand.u32 $0x7F, v1;
	[tilespmem:v0+s7+$0x0] =	vst.idx.msk $0xffff, v2  }
0x16e: {  	s28 =	simm.s32 $0x0;
	s29 =	simm.s32 $0x1D80;
	s30 =	simm.s32 $0x2;
	[tilespmem:v0+s6+$0x0] =	vst.idx.msk $0xffff, v1  }
0x16f: {  	[hbm4b:s3+s28] =	stream.linear.scatter [tilespmem:s29], [sflag:$0x2], $0x280, $0x38;
	[tilespmem:$0x4A80] =	vst v63  }
0x170: {  	_ =	swait.ge [sflag:s30], $0x280  }
0x171: {  	[sflag:s30] =	ssyncset.done $0x0  }
.Ltmp13:
0x172: {  	s31 =	simm.s32 $0x2000;
	[sflag:s30] =	ssyncadd.s32 $0xFFFFFD80;
	(pc) =	sbr.rel .LBB2_25-.Ltmp13, $4  }
0x173: {  	[hbm4b:s2+s28] =	stream.linear.scatter [tilespmem:s31], [sflag:$0x2], $0x280, $0x38;
	[tilespmem:$0x4A80] =	vst v63  }
0x174: {  	_ =	swait.ge [sflag:s30], $0x280  }
0x175: {  	[sflag:s30] =	ssyncset.done $0x0  }
0x176: {  	[sflag:s30] =	ssyncadd.s32 $0xFFFFFD80  }
.LBB2_18:
0x177: {  	[bflag:$0x0] =	sbarrier.arrive $0xFFFF  }
.LBB2_25:
0x178: {  	_ =	sfence.sel $0x180000  }
0x179: {  	[bflag:$0x0] =	sbarrier.arrive $0xFFFF  }
0x17a: {  	p0 =	sne.s32 s1, $0x0;
	_ =	strace $0x90000047  }
0x17b: {  	s0 =	sadd.s32 @!p0 $0x100000, s0;
	[bflag:$0x2] =	sbarrier.arrive $0xFFFF  }
0x17c: {  	[sflag:s0] =	ssyncadd.tile.s32 @!p0 $0x1;
	_ =	shalt  }
.Lfunc_end2:
_tile_overlayer_lowered:
.L_overlay_start_2:
0x17d: {  	(tag) =	ssettag $0x2  }
0x17e: {  	s0 =	rddreg [dreg:$0x0];
	s2 =	stileid.u32  }
0x17f: {  	s1 =	rddreg [dreg:$0x1];
	p0 =	sne.s32 s2, $0x0  }
0x180: {  	s3 =	rddreg [dreg:$0x2];
	[bflag:$0x3] =	sbarrier.arrive $0xFFFF;
	s2 =	simm.s32 @!p0 $0x1C02  }
0x181: {  	[timem:s3], [sflag:s2] =	dma.local @!p0 [hbm:s0], s1  }
0x182: {  	s0 =	simm.s32 @!p0 $0x2  }
0x183: {  	_ =	swait.ge @!p0 [sflag:s0], s1  }
0x184: {  	s1 =	ssub.s32 @!p0 $0x0, s1;
	[sflag:s0] =	ssyncset.done @!p0 $0x0  }
0x185: {  	[sflag:s0] =	ssyncadd.s32 @!p0 s1  }
0x186: {  	[bflag:$0x3] =	sbarrier.arrive $0xFFFF  }
0x187: {  	_ =	shalt  }

</sc_bundles>
